<compile_context>
chip_gen: v7x
topology: tpu7x:2x2x1
jax: 0.10.2.dev20260603
libtpu: 0.0.44.dev20260713+nightly
codegen_flags: <defaults>
</compile_context>

<pallas_src>
import functools

import jax
import jax.numpy as jnp
from jax import lax
from jax.experimental import pallas as pl
from jax.experimental.pallas import tpu as pltpu
from jax.experimental.pallas import tpu_sc as plsc

NC = 2
NS = 16
NW = NC * NS
K = 128
BN_EPS = 1e-5
BLK = 1000


def _sc_mesh():
    return plsc.VectorSubcoreMesh(
        core_axis_name="c", subcore_axis_name="s", num_cores=NC, num_subcores=NS
    )


def _make_agg_kernel(ch_per_w, n_acc, d):
    rpt = n_acc // NS

    @functools.partial(
        pl.kernel,
        out_type=jax.ShapeDtypeStruct((NC, n_acc, d), jnp.float32),
        mesh=_sc_mesh(),
        scratch_types=[
            pltpu.VMEM((2, K), jnp.int32),
            pltpu.VMEM((K, d), jnp.float32),
            pltpu.VMEM_SHARED((n_acc, d), jnp.float32),
            pltpu.SemaphoreType.DMA,
        ],
    )
    def agg_kernel(ap_hbm, eidx_hbm, zeros_hbm, out_hbm, idx, rows, acc, sem):
        c = lax.axis_index("c")
        s = lax.axis_index("s")
        w = s * NC + c
        pltpu.sync_copy(zeros_hbm, acc.at[pl.ds(s * rpt, rpt)])
        plsc.subcore_barrier()

        def body(ch, carry):
            pltpu.sync_copy(eidx_hbm.at[w, ch], idx)
            pltpu.async_copy(ap_hbm.at[idx.at[0]], rows, sem).wait()
            pltpu.sync_copy(rows, acc.at[idx.at[1]], add=True)
            return carry

        lax.fori_loop(0, ch_per_w, body, 0)
        plsc.subcore_barrier()
        pltpu.sync_copy(
            acc.at[pl.ds(s * rpt, rpt)], out_hbm.at[c, pl.ds(s * rpt, rpt)]
        )

    return agg_kernel


def _make_deg_kernel(ch_per_w, n_acc, d):
    rpt = n_acc // NS

    @functools.partial(
        pl.kernel,
        out_type=jax.ShapeDtypeStruct((NC, n_acc, d), jnp.float32),
        mesh=_sc_mesh(),
        scratch_types=[
            pltpu.VMEM((1, K), jnp.int32),
            pltpu.VMEM((K, d), jnp.float32),
            pltpu.VMEM_SHARED((n_acc, d), jnp.float32),
        ],
    )
    def deg_kernel(eidx_hbm, ones_hbm, zeros_hbm, out_hbm, idx, ones_v, acc):
        c = lax.axis_index("c")
        s = lax.axis_index("s")
        w = s * NC + c
        pltpu.sync_copy(ones_hbm, ones_v)
        pltpu.sync_copy(zeros_hbm, acc.at[pl.ds(s * rpt, rpt)])
        plsc.subcore_barrier()

        def body(ch, carry):
            pltpu.sync_copy(eidx_hbm.at[w, ch, 1], idx.at[0])
            pltpu.sync_copy(ones_v, acc.at[idx.at[0]], add=True)
            return carry

        lax.fori_loop(0, ch_per_w, body, 0)
        plsc.subcore_barrier()
        pltpu.sync_copy(
            acc.at[pl.ds(s * rpt, rpt)], out_hbm.at[c, pl.ds(s * rpt, rpt)]
        )

    return deg_kernel


def _entry_body(dega_ref, x_ref, wg_ref, dis_ref, ap_ref):
    dw = dega_ref[...]
    deg = dw[0, :, 0:1] + dw[1, :, 0:1] + 1.0
    dis = lax.rsqrt(deg)
    dis_ref[...] = dis
    ap_ref[...] = (
        jnp.dot(x_ref[...], wg_ref[...], preferred_element_type=jnp.float32) * dis
    )


def _combine_body(agg_ref, ap_ref, dis_ref, h_ref, wl_ref, wgn_ref,
                  bg_ref, bl_ref, mean_ref, var_ref, gamma_ref, beta_ref,
                  hn_ref, apn_ref):
    ag = agg_ref[...]
    dis = dis_ref[...]
    pre = (ag[0] + ag[1] + ap_ref[...]) * dis + bg_ref[...]
    pre += jnp.dot(h_ref[...], wl_ref[...], preferred_element_type=jnp.float32)
    pre += bl_ref[...]
    scale = gamma_ref[...] * lax.rsqrt(var_ref[...] + BN_EPS)
    hn = jnp.maximum((pre - mean_ref[...]) * scale + beta_ref[...], 0.0)
    hn_ref[...] = hn
    apn_ref[...] = (
        jnp.dot(hn, wgn_ref[...], preferred_element_type=jnp.float32) * dis
    )


def _final_body(agg_ref, ap_ref, dis_ref, h_ref, wl_ref, wp_ref,
                bg_ref, bl_ref, mean_ref, var_ref, gamma_ref, beta_ref,
                bp_ref, y_ref):
    ag = agg_ref[...]
    dis = dis_ref[...]
    pre = (ag[0] + ag[1] + ap_ref[...]) * dis + bg_ref[...]
    pre += jnp.dot(h_ref[...], wl_ref[...], preferred_element_type=jnp.float32)
    pre += bl_ref[...]
    scale = gamma_ref[...] * lax.rsqrt(var_ref[...] + BN_EPS)
    hn = jnp.maximum((pre - mean_ref[...]) * scale + beta_ref[...], 0.0)
    y_ref[...] = (
        jnp.dot(hn, wp_ref[...], preferred_element_type=jnp.float32) + bp_ref[...]
    )


def _row_spec(b, d):
    return pl.BlockSpec((b, d), lambda i: (i, 0))


def _full_spec(shape):
    ndim = len(shape)
    return pl.BlockSpec(shape, lambda i: (0,) * ndim)


def kernel(x, edge_index, Wg, bg, Wl, bl, gamma, beta, running_mean,
           running_var, Wp, bp):
    n, d = x.shape
    e = edge_index.shape[1]
    d_out = Wp.shape[1]
    n_layers = Wg.shape[0]

    ch_per_w = -(-e // (NW * K))
    e_pad = NW * ch_per_w * K
    n_acc = -(-(n + 1) // (NS * 8)) * (NS * 8)
    rpt = n_acc // NS

    src = edge_index[0].astype(jnp.int32)
    dst = edge_index[1].astype(jnp.int32)
    pad = e_pad - e
    esrc = jnp.concatenate([src, jnp.zeros((pad,), jnp.int32)]).reshape(NW, ch_per_w, K)
    edst = jnp.concatenate([dst, jnp.full((pad,), n, jnp.int32)]).reshape(NW, ch_per_w, K)
    eidx = jnp.stack([esrc, edst], axis=2)

    zeros_agg = jnp.zeros((rpt, d), jnp.float32)
    ones_kd = jnp.ones((K, d), jnp.float32)

    agg_kernel = _make_agg_kernel(ch_per_w, n_acc, d)

    dega = _make_deg_kernel(ch_per_w, n_acc, d)(eidx, ones_kd, zeros_agg)

    grid = (n // BLK,)
    dis, ap = pl.pallas_call(
        _entry_body,
        grid=grid,
        in_specs=[
            pl.BlockSpec((NC, BLK, d), lambda i: (0, i, 0)),
            _row_spec(BLK, d),
            _full_spec((d, d)),
        ],
        out_specs=[_row_spec(BLK, 1), _row_spec(BLK, d)],
        out_shape=[
            jax.ShapeDtypeStruct((n, 1), jnp.float32),
            jax.ShapeDtypeStruct((n, d), jnp.float32),
        ],
    )(dega, x, Wg[0])

    vec = lambda a: a.reshape(1, -1)
    h = x
    for i in range(n_layers):
        agg = agg_kernel(ap, eidx, zeros_agg)
        last = i == n_layers - 1
        vspecs = [_full_spec((1, d))] * 6
        common_in = [
            pl.BlockSpec((NC, BLK, d), lambda i_: (0, i_, 0)),
            _row_spec(BLK, d),
            _row_spec(BLK, 1),
            _row_spec(BLK, d),
            _full_spec((d, d)),
        ]
        consts = (vec(bg[i]), vec(bl[i]), vec(running_mean[i]),
                  vec(running_var[i]), vec(gamma[i]), vec(beta[i]))
        if not last:
            h, ap = pl.pallas_call(
                _combine_body,
                grid=grid,
                in_specs=common_in + [_full_spec((d, d))] + vspecs,
                out_specs=[_row_spec(BLK, d), _row_spec(BLK, d)],
                out_shape=[
                    jax.ShapeDtypeStruct((n, d), jnp.float32),
                    jax.ShapeDtypeStruct((n, d), jnp.float32),
                ],
            )(agg, ap, dis, h, Wl[i], Wg[i + 1], *consts)
        else:
            y = pl.pallas_call(
                _final_body,
                grid=grid,
                in_specs=common_in + [_full_spec((d, d_out))] + vspecs
                + [_full_spec((1, d_out))],
                out_specs=_row_spec(BLK, d_out),
                out_shape=jax.ShapeDtypeStruct((n, d_out), jnp.float32),
            )(agg, ap, dis, h, Wl[i], Wp, *consts, vec(bp))
    return y

# --- scband reference (transcript-rebuilt; emitter-appended) ---
"""Pipeline reference for scband-mpnns-10763188043968 (READ-ONLY COPY).

The authoritative reference and input builder live on the scoring server;
editing this copy changes nothing except your own understanding.
"""

import jax, jax.numpy as jnp
import numpy as np

N_NODES = 10000
N_EDGES = 320000
D_IN = 128
D_HID = 128
D_OUT = 64
N_LAYERS = 3
BN_EPS = 1e-5


def gcn_conv(x, src, dst, W, b, n):
    # PyG GCNConv with normalize=True, add_self_loops=True (eval mode).
    loop = jnp.arange(n)
    src2 = jnp.concatenate([src, loop])
    dst2 = jnp.concatenate([dst, loop])
    deg = jax.ops.segment_sum(jnp.ones(src2.shape[0], dtype=x.dtype), dst2, num_segments=n)
    dis = jnp.where(deg > 0, 1.0 / jnp.sqrt(deg), 0.0)
    norm = dis[src2] * dis[dst2]
    h = x @ W
    msg = h[src2] * norm[:, None]
    out = jax.ops.segment_sum(msg, dst2, num_segments=n)
    return out + b


def setup_inputs(seed: int = 0) -> dict:
    key = jax.random.key(seed)
    ks = jax.random.split(key, 12)
    x = jax.random.normal(ks[0], (N_NODES, D_IN), dtype=jnp.float32)
    edge_index = jax.random.randint(ks[1], (2, N_EDGES), 0, N_NODES)
    Wg = jax.random.normal(ks[2], (N_LAYERS, D_HID, D_HID), dtype=jnp.float32) * 0.05
    bg = jax.random.normal(ks[3], (N_LAYERS, D_HID), dtype=jnp.float32) * 0.05
    Wl = jax.random.normal(ks[4], (N_LAYERS, D_HID, D_HID), dtype=jnp.float32) * 0.05
    bl = jax.random.normal(ks[5], (N_LAYERS, D_HID), dtype=jnp.float32) * 0.05
    gamma = jnp.ones((N_LAYERS, D_HID), dtype=jnp.float32)
    beta = jnp.zeros((N_LAYERS, D_HID), dtype=jnp.float32)
    running_mean = jnp.zeros((N_LAYERS, D_HID), dtype=jnp.float32)
    running_var = jnp.ones((N_LAYERS, D_HID), dtype=jnp.float32)
    Wp = jax.random.normal(ks[6], (D_HID, D_OUT), dtype=jnp.float32) * 0.05
    bp = jax.random.normal(ks[7], (D_OUT,), dtype=jnp.float32) * 0.05
    return {"x": x, "edge_index": edge_index, "Wg": Wg, "bg": bg, "Wl": Wl,
            "bl": bl, "gamma": gamma, "beta": beta, "running_mean": running_mean,
            "running_var": running_var, "Wp": Wp, "bp": bp}


def reference(x, edge_index, Wg, bg, Wl, bl, gamma, beta, running_mean, running_var, Wp, bp):
    # Eval mode: dropout = identity, BatchNorm uses running stats.
    n = x.shape[0]
    src = edge_index[0]
    dst = edge_index[1]
    h = x
    for i in range(N_LAYERS):
        h = gcn_conv(h, src, dst, Wg[i], bg[i], n) + h @ Wl[i] + bl[i]
        h = (h - running_mean[i]) / jnp.sqrt(running_var[i] + BN_EPS) * gamma[i] + beta[i]
        h = jax.nn.relu(h)
    x_final = h
    return x_final @ Wp + bp

if __name__ == "__main__":
    import jax
    _d = setup_inputs()
    print(jax.jit(kernel)(*tuple(_d.values())))

</pallas_src>

<mosaic_0001>
#map = affine_map<(d0, d1) -> (0, 0)>
#map1 = affine_map<(d0, d1) -> (0, 0, 0, 0)>
#map2 = affine_map<(d0, d1) -> (0, 0, 0)>
module attributes {stable_mosaic.version = 14 : i64} {
  func.func @agg_kernel(%arg0: i32, %arg1: i32, %arg2: memref<10000x128xf32, #tpu.memory_space<hbm>>, %arg3: memref<32x79x2x128xi32, #tpu.memory_space<hbm>>, %arg4: memref<632x128xf32, #tpu.memory_space<hbm>>, %arg5: memref<2x10112x128xf32, #tpu.memory_space<hbm>>, %arg6: memref<2x128xi32, #tpu.memory_space<vmem>>, %arg7: memref<128x128xf32, #tpu.memory_space<vmem>>, %arg8: memref<10112x128xf32, #tpu.memory_space<vmem_shared>>, %arg9: memref<!tpu.dma_semaphore, #tpu.memory_space<semaphore_mem>>) attributes {dimension_semantics = [#tpu.dimension_semantics<core_parallel>, #tpu.dimension_semantics<subcore_parallel>], iteration_bounds = array<i64: 2, 16>, scalar_prefetch = 0 : i64, scratch_operands = 4 : i64, tpu.core_type = #tpu.core_type<sc_vector_subcore>, window_params = [{transform_indices = #map}, {transform_indices = #map1}, {transform_indices = #map}, {transform_indices = #map2}]} {
    %mul3A = arith.constant 2 : i32
    %mul3A_0 = arith.muli %arg1, %mul3A : i32
    %add3A = arith.addi %mul3A_0, %arg0 : i32
    %mul3A_1 = arith.constant 632 : i32
    %mul3A_2 = arith.muli %arg1, %mul3A_1 : i32
    "tpu.region"() ({
      %run_scoped3A = tpu.sem_alloc : memref<!tpu.dma_semaphore, #tpu.memory_space<semaphore_mem>>
      %dma_start3A = arith.constant 0 : i32
      %dma_start3A_13 = tpu.memref_slice %arg8[%mul3A_2, %dma_start3A] : memref<10112x128xf32, #tpu.memory_space<vmem_shared>> -> memref<632x128xf32, #tpu.memory_space<vmem_shared>>
      tpu.enqueue_dma source(%arg4 : memref<632x128xf32, #tpu.memory_space<hbm>>) target(%dma_start3A_13 : memref<632x128xf32, #tpu.memory_space<vmem_shared>>) target_semaphore(%run_scoped3A : memref<!tpu.dma_semaphore, #tpu.memory_space<semaphore_mem>>)
      %dma_wait3A = arith.constant 0 : i32
      %dma_wait3A_14 = tpu.memref_slice %arg8[%mul3A_2, %dma_wait3A] : memref<10112x128xf32, #tpu.memory_space<vmem_shared>> -> memref<632x128xf32, #tpu.memory_space<vmem_shared>>
      tpu.wait_dma2 semaphore(%run_scoped3A : memref<!tpu.dma_semaphore, #tpu.memory_space<semaphore_mem>>) src(%arg4 : memref<632x128xf32, #tpu.memory_space<hbm>>) dst(%dma_wait3A_14 : memref<632x128xf32, #tpu.memory_space<vmem_shared>>)
      tpu.yield
    }) : () -> ()
    %barrier3A = arith.constant 0 : index
    tpu.barrier barrier_id(%barrier3A)
    %scan3A = arith.constant 0 : i32
    %scan3A_3 = arith.constant 0 : i32
    %scan3A_4 = arith.constant 79 : i32
    %scan3A_5 = arith.addi %scan3A_3, %scan3A_4 : i32
    %scan3A_6 = arith.constant 1 : i32
    scf.for %scan3A_13 = %scan3A_3 to %scan3A_5 step %scan3A_6  : i32 {
      "tpu.region"() ({
        %run_scoped3A_26 = tpu.sem_alloc : memref<!tpu.dma_semaphore, #tpu.memory_space<semaphore_mem>>
        %dma_start3A_27 = arith.constant 0 : i32
        %dma_start3A_28 = arith.constant 0 : i32
        %dma_start3A_29 = tpu.memref_slice %arg3[%add3A, %scan3A_13, %dma_start3A_27, %dma_start3A_28] : memref<32x79x2x128xi32, #tpu.memory_space<hbm>> -> memref<1x1x2x128xi32, #tpu.memory_space<hbm>>
        %dma_start3A_30 = tpu.memref_squeeze %dma_start3A_29 : memref<1x1x2x128xi32, #tpu.memory_space<hbm>> -> memref<2x128xi32, #tpu.memory_space<hbm>>
        %dma_start3A_31 = arith.constant 0 : i32
        %dma_start3A_32 = arith.constant 0 : i32
        %dma_start3A_33 = tpu.memref_slice %arg3[%add3A, %scan3A_13, %dma_start3A_31, %dma_start3A_32] : memref<32x79x2x128xi32, #tpu.memory_space<hbm>> -> memref<1x1x2x128xi32, #tpu.memory_space<hbm>>
        %dma_start3A_34 = tpu.memref_squeeze %dma_start3A_33 : memref<1x1x2x128xi32, #tpu.memory_space<hbm>> -> memref<2x128xi32, #tpu.memory_space<hbm>>
        tpu.enqueue_dma source(%dma_start3A_34 : memref<2x128xi32, #tpu.memory_space<hbm>>) target(%arg6 : memref<2x128xi32, #tpu.memory_space<vmem>>) target_semaphore(%run_scoped3A_26 : memref<!tpu.dma_semaphore, #tpu.memory_space<semaphore_mem>>)
        %dma_wait3A_35 = arith.constant 0 : i32
        %dma_wait3A_36 = arith.constant 0 : i32
        %dma_wait3A_37 = tpu.memref_slice %arg3[%add3A, %scan3A_13, %dma_wait3A_35, %dma_wait3A_36] : memref<32x79x2x128xi32, #tpu.memory_space<hbm>> -> memref<1x1x2x128xi32, #tpu.memory_space<hbm>>
        %dma_wait3A_38 = tpu.memref_squeeze %dma_wait3A_37 : memref<1x1x2x128xi32, #tpu.memory_space<hbm>> -> memref<2x128xi32, #tpu.memory_space<hbm>>
        %dma_wait3A_39 = arith.constant 0 : i32
        %dma_wait3A_40 = arith.constant 0 : i32
        %dma_wait3A_41 = tpu.memref_slice %arg3[%add3A, %scan3A_13, %dma_wait3A_39, %dma_wait3A_40] : memref<32x79x2x128xi32, #tpu.memory_space<hbm>> -> memref<1x1x2x128xi32, #tpu.memory_space<hbm>>
        %dma_wait3A_42 = tpu.memref_squeeze %dma_wait3A_41 : memref<1x1x2x128xi32, #tpu.memory_space<hbm>> -> memref<2x128xi32, #tpu.memory_space<hbm>>
        tpu.wait_dma2 semaphore(%run_scoped3A_26 : memref<!tpu.dma_semaphore, #tpu.memory_space<semaphore_mem>>) src(%dma_wait3A_42 : memref<2x128xi32, #tpu.memory_space<hbm>>) dst(%arg6 : memref<2x128xi32, #tpu.memory_space<vmem>>)
        tpu.yield
      }) : () -> ()
      %dma_start3A = arith.constant 0 : i32
      %dma_start3A_14 = arith.constant 0 : i32
      %dma_start3A_15 = tpu.memref_slice %arg6[%dma_start3A, %dma_start3A_14] : memref<2x128xi32, #tpu.memory_space<vmem>> -> memref<1x128xi32, #tpu.memory_space<vmem>>
      %dma_start3A_16 = tpu.memref_squeeze %dma_start3A_15 : memref<1x128xi32, #tpu.memory_space<vmem>> -> memref<128xi32, #tpu.memory_space<vmem>>
      %dma_start3A_17 = arith.constant 0 : i32
      %dma_start3A_18 = arith.constant 0 : i32
      %dma_start3A_19 = tpu.memref_slice %arg2[%dma_start3A_17, %dma_start3A_18] : memref<10000x128xf32, #tpu.memory_space<hbm>> -> memref<10000x128xf32, #tpu.memory_space<hbm>>
      tpu.enqueue_indirect_dma source(%dma_start3A_19 : memref<10000x128xf32, #tpu.memory_space<hbm>>) target(%arg7 : memref<128x128xf32, #tpu.memory_space<vmem>>) offsets(%dma_start3A_16 : memref<128xi32, #tpu.memory_space<vmem>>) semaphore(%arg9 : memref<!tpu.dma_semaphore, #tpu.memory_space<semaphore_mem>>)
      %dma_wait3A = arith.constant 0 : i32
      %dma_wait3A_20 = arith.constant 0 : i32
      %dma_wait3A_21 = tpu.memref_slice %arg6[%dma_wait3A, %dma_wait3A_20] : memref<2x128xi32, #tpu.memory_space<vmem>> -> memref<1x128xi32, #tpu.memory_space<vmem>>
      %dma_wait3A_22 = tpu.memref_squeeze %dma_wait3A_21 : memref<1x128xi32, #tpu.memory_space<vmem>> -> memref<128xi32, #tpu.memory_space<vmem>>
      %dma_wait3A_23 = arith.constant 0 : i32
      %dma_wait3A_24 = arith.constant 0 : i32
      %dma_wait3A_25 = tpu.memref_slice %arg2[%dma_wait3A_23, %dma_wait3A_24] : memref<10000x128xf32, #tpu.memory_space<hbm>> -> memref<10000x128xf32, #tpu.memory_space<hbm>>
      tpu.wait_indirect_dma semaphore(%arg9 : memref<!tpu.dma_semaphore, #tpu.memory_space<semaphore_mem>>) src(%dma_wait3A_25 : memref<10000x128xf32, #tpu.memory_space<hbm>>) dst(%arg7 : memref<128x128xf32, #tpu.memory_space<vmem>>)
      %run_scoped3A = arith.constant 1 : i32
      "tpu.region"() ({
        %run_scoped3A_26 = tpu.sem_alloc : memref<!tpu.dma_semaphore, #tpu.memory_space<semaphore_mem>>
        %dma_start3A_27 = arith.constant 0 : i32
        %dma_start3A_28 = tpu.memref_slice %arg6[%run_scoped3A, %dma_start3A_27] : memref<2x128xi32, #tpu.memory_space<vmem>> -> memref<1x128xi32, #tpu.memory_space<vmem>>
        %dma_start3A_29 = tpu.memref_squeeze %dma_start3A_28 : memref<1x128xi32, #tpu.memory_space<vmem>> -> memref<128xi32, #tpu.memory_space<vmem>>
        %dma_start3A_30 = arith.constant 0 : i32
        %dma_start3A_31 = arith.constant 0 : i32
        %dma_start3A_32 = tpu.memref_slice %arg8[%dma_start3A_30, %dma_start3A_31] : memref<10112x128xf32, #tpu.memory_space<vmem_shared>> -> memref<10112x128xf32, #tpu.memory_space<vmem_shared>>
        tpu.enqueue_indirect_dma source(%arg7 : memref<128x128xf32, #tpu.memory_space<vmem>>) target(%dma_start3A_32 : memref<10112x128xf32, #tpu.memory_space<vmem_shared>>) offsets(%dma_start3A_29 : memref<128xi32, #tpu.memory_space<vmem>>) semaphore(%run_scoped3A_26 : memref<!tpu.dma_semaphore, #tpu.memory_space<semaphore_mem>>) {add = true}
        %dma_wait3A_33 = arith.constant 0 : i32
        %dma_wait3A_34 = tpu.memref_slice %arg6[%run_scoped3A, %dma_wait3A_33] : memref<2x128xi32, #tpu.memory_space<vmem>> -> memref<1x128xi32, #tpu.memory_space<vmem>>
        %dma_wait3A_35 = tpu.memref_squeeze %dma_wait3A_34 : memref<1x128xi32, #tpu.memory_space<vmem>> -> memref<128xi32, #tpu.memory_space<vmem>>
        %dma_wait3A_36 = arith.constant 0 : i32
        %dma_wait3A_37 = arith.constant 0 : i32
        %dma_wait3A_38 = tpu.memref_slice %arg8[%dma_wait3A_36, %dma_wait3A_37] : memref<10112x128xf32, #tpu.memory_space<vmem_shared>> -> memref<10112x128xf32, #tpu.memory_space<vmem_shared>>
        tpu.wait_indirect_dma semaphore(%run_scoped3A_26 : memref<!tpu.dma_semaphore, #tpu.memory_space<semaphore_mem>>) src(%arg7 : memref<128x128xf32, #tpu.memory_space<vmem>>) dst(%dma_wait3A_38 : memref<10112x128xf32, #tpu.memory_space<vmem_shared>>)
        tpu.yield
      }) : () -> ()
    }
    %scan3A_7 = arith.constant 79 : i32
    %barrier3A_8 = arith.constant 0 : index
    tpu.barrier barrier_id(%barrier3A_8)
    %mul3A_9 = arith.constant 632 : i32
    %mul3A_10 = arith.muli %arg1, %mul3A_9 : i32
    %mul3A_11 = arith.constant 632 : i32
    %mul3A_12 = arith.muli %arg1, %mul3A_11 : i32
    "tpu.region"() ({
      %run_scoped3A = tpu.sem_alloc : memref<!tpu.dma_semaphore, #tpu.memory_space<semaphore_mem>>
      %dma_start3A = arith.constant 0 : i32
      %dma_start3A_13 = tpu.memref_slice %arg5[%arg0, %mul3A_12, %dma_start3A] : memref<2x10112x128xf32, #tpu.memory_space<hbm>> -> memref<1x632x128xf32, #tpu.memory_space<hbm>>
      %dma_start3A_14 = tpu.memref_squeeze %dma_start3A_13 : memref<1x632x128xf32, #tpu.memory_space<hbm>> -> memref<632x128xf32, #tpu.memory_space<hbm>>
      %dma_start3A_15 = arith.constant 0 : i32
      %dma_start3A_16 = tpu.memref_slice %arg8[%mul3A_10, %dma_start3A_15] : memref<10112x128xf32, #tpu.memory_space<vmem_shared>> -> memref<632x128xf32, #tpu.memory_space<vmem_shared>>
      tpu.enqueue_dma source(%dma_start3A_16 : memref<632x128xf32, #tpu.memory_space<vmem_shared>>) target(%dma_start3A_14 : memref<632x128xf32, #tpu.memory_space<hbm>>) target_semaphore(%run_scoped3A : memref<!tpu.dma_semaphore, #tpu.memory_space<semaphore_mem>>)
      %dma_wait3A = arith.constant 0 : i32
      %dma_wait3A_17 = tpu.memref_slice %arg5[%arg0, %mul3A_12, %dma_wait3A] : memref<2x10112x128xf32, #tpu.memory_space<hbm>> -> memref<1x632x128xf32, #tpu.memory_space<hbm>>
      %dma_wait3A_18 = tpu.memref_squeeze %dma_wait3A_17 : memref<1x632x128xf32, #tpu.memory_space<hbm>> -> memref<632x128xf32, #tpu.memory_space<hbm>>
      %dma_wait3A_19 = arith.constant 0 : i32
      %dma_wait3A_20 = tpu.memref_slice %arg8[%mul3A_10, %dma_wait3A_19] : memref<10112x128xf32, #tpu.memory_space<vmem_shared>> -> memref<632x128xf32, #tpu.memory_space<vmem_shared>>
      tpu.wait_dma2 semaphore(%run_scoped3A : memref<!tpu.dma_semaphore, #tpu.memory_space<semaphore_mem>>) src(%dma_wait3A_20 : memref<632x128xf32, #tpu.memory_space<vmem_shared>>) dst(%dma_wait3A_18 : memref<632x128xf32, #tpu.memory_space<hbm>>)
      tpu.yield
    }) : () -> ()
    return
  }
}

#map = affine_map<(d0, d1) -> (0, 0)>
#map1 = affine_map<(d0, d1) -> (0, 0, 0, 0)>
#map2 = affine_map<(d0, d1) -> (0, 0, 0)>
module attributes {stable_mosaic.version = 14 : i64} {
  func.func @agg_kernel(%arg0: i32, %arg1: i32, %arg2: memref<10000x128xf32, #tpu.memory_space<hbm>>, %arg3: memref<32x79x2x128xi32, #tpu.memory_space<hbm>>, %arg4: memref<632x128xf32, #tpu.memory_space<hbm>>, %arg5: memref<2x10112x128xf32, #tpu.memory_space<hbm>>, %arg6: memref<2x128xi32, #tpu.memory_space<vmem>>, %arg7: memref<128x128xf32, #tpu.memory_space<vmem>>, %arg8: memref<10112x128xf32, #tpu.memory_space<vmem_shared>>, %arg9: memref<!tpu.dma_semaphore, #tpu.memory_space<semaphore_mem>>) attributes {dimension_semantics = [#tpu.dimension_semantics<core_parallel>, #tpu.dimension_semantics<subcore_parallel>], iteration_bounds = array<i64: 2, 16>, scalar_prefetch = 0 : i64, scratch_operands = 4 : i64, tpu.core_type = #tpu.core_type<sc_vector_subcore>, window_params = [{transform_indices = #map}, {transform_indices = #map1}, {transform_indices = #map}, {transform_indices = #map2}]} {
    %mul3A = arith.constant 2 : i32
    %mul3A_0 = arith.muli %arg1, %mul3A : i32
    %add3A = arith.addi %mul3A_0, %arg0 : i32
    %mul3A_1 = arith.constant 632 : i32
    %mul3A_2 = arith.muli %arg1, %mul3A_1 : i32
    "tpu.region"() ({
      %run_scoped3A = tpu.sem_alloc : memref<!tpu.dma_semaphore, #tpu.memory_space<semaphore_mem>>
      %dma_start3A = arith.constant 0 : i32
      %dma_start3A_13 = tpu.memref_slice %arg8[%mul3A_2, %dma_start3A] : memref<10112x128xf32, #tpu.memory_space<vmem_shared>> -> memref<632x128xf32, #tpu.memory_space<vmem_shared>>
      tpu.enqueue_dma source(%arg4 : memref<632x128xf32, #tpu.memory_space<hbm>>) target(%dma_start3A_13 : memref<632x128xf32, #tpu.memory_space<vmem_shared>>) target_semaphore(%run_scoped3A : memref<!tpu.dma_semaphore, #tpu.memory_space<semaphore_mem>>)
      %dma_wait3A = arith.constant 0 : i32
      %dma_wait3A_14 = tpu.memref_slice %arg8[%mul3A_2, %dma_wait3A] : memref<10112x128xf32, #tpu.memory_space<vmem_shared>> -> memref<632x128xf32, #tpu.memory_space<vmem_shared>>
      tpu.wait_dma2 semaphore(%run_scoped3A : memref<!tpu.dma_semaphore, #tpu.memory_space<semaphore_mem>>) src(%arg4 : memref<632x128xf32, #tpu.memory_space<hbm>>) dst(%dma_wait3A_14 : memref<632x128xf32, #tpu.memory_space<vmem_shared>>)
      tpu.yield
    }) : () -> ()
    %barrier3A = arith.constant 0 : index
    tpu.barrier barrier_id(%barrier3A)
    %scan3A = arith.constant 0 : i32
    %scan3A_3 = arith.constant 0 : i32
    %scan3A_4 = arith.constant 79 : i32
    %scan3A_5 = arith.addi %scan3A_3, %scan3A_4 : i32
    %scan3A_6 = arith.constant 1 : i32
    scf.for %scan3A_13 = %scan3A_3 to %scan3A_5 step %scan3A_6  : i32 {
      "tpu.region"() ({
        %run_scoped3A_26 = tpu.sem_alloc : memref<!tpu.dma_semaphore, #tpu.memory_space<semaphore_mem>>
        %dma_start3A_27 = arith.constant 0 : i32
        %dma_start3A_28 = arith.constant 0 : i32
        %dma_start3A_29 = tpu.memref_slice %arg3[%add3A, %scan3A_13, %dma_start3A_27, %dma_start3A_28] : memref<32x79x2x128xi32, #tpu.memory_space<hbm>> -> memref<1x1x2x128xi32, #tpu.memory_space<hbm>>
        %dma_start3A_30 = tpu.memref_squeeze %dma_start3A_29 : memref<1x1x2x128xi32, #tpu.memory_space<hbm>> -> memref<2x128xi32, #tpu.memory_space<hbm>>
        %dma_start3A_31 = arith.constant 0 : i32
        %dma_start3A_32 = arith.constant 0 : i32
        %dma_start3A_33 = tpu.memref_slice %arg3[%add3A, %scan3A_13, %dma_start3A_31, %dma_start3A_32] : memref<32x79x2x128xi32, #tpu.memory_space<hbm>> -> memref<1x1x2x128xi32, #tpu.memory_space<hbm>>
        %dma_start3A_34 = tpu.memref_squeeze %dma_start3A_33 : memref<1x1x2x128xi32, #tpu.memory_space<hbm>> -> memref<2x128xi32, #tpu.memory_space<hbm>>
        tpu.enqueue_dma source(%dma_start3A_34 : memref<2x128xi32, #tpu.memory_space<hbm>>) target(%arg6 : memref<2x128xi32, #tpu.memory_space<vmem>>) target_semaphore(%run_scoped3A_26 : memref<!tpu.dma_semaphore, #tpu.memory_space<semaphore_mem>>)
        %dma_wait3A_35 = arith.constant 0 : i32
        %dma_wait3A_36 = arith.constant 0 : i32
        %dma_wait3A_37 = tpu.memref_slice %arg3[%add3A, %scan3A_13, %dma_wait3A_35, %dma_wait3A_36] : memref<32x79x2x128xi32, #tpu.memory_space<hbm>> -> memref<1x1x2x128xi32, #tpu.memory_space<hbm>>
        %dma_wait3A_38 = tpu.memref_squeeze %dma_wait3A_37 : memref<1x1x2x128xi32, #tpu.memory_space<hbm>> -> memref<2x128xi32, #tpu.memory_space<hbm>>
        %dma_wait3A_39 = arith.constant 0 : i32
        %dma_wait3A_40 = arith.constant 0 : i32
        %dma_wait3A_41 = tpu.memref_slice %arg3[%add3A, %scan3A_13, %dma_wait3A_39, %dma_wait3A_40] : memref<32x79x2x128xi32, #tpu.memory_space<hbm>> -> memref<1x1x2x128xi32, #tpu.memory_space<hbm>>
        %dma_wait3A_42 = tpu.memref_squeeze %dma_wait3A_41 : memref<1x1x2x128xi32, #tpu.memory_space<hbm>> -> memref<2x128xi32, #tpu.memory_space<hbm>>
        tpu.wait_dma2 semaphore(%run_scoped3A_26 : memref<!tpu.dma_semaphore, #tpu.memory_space<semaphore_mem>>) src(%dma_wait3A_42 : memref<2x128xi32, #tpu.memory_space<hbm>>) dst(%arg6 : memref<2x128xi32, #tpu.memory_space<vmem>>)
        tpu.yield
      }) : () -> ()
      %dma_start3A = arith.constant 0 : i32
      %dma_start3A_14 = arith.constant 0 : i32
      %dma_start3A_15 = tpu.memref_slice %arg6[%dma_start3A, %dma_start3A_14] : memref<2x128xi32, #tpu.memory_space<vmem>> -> memref<1x128xi32, #tpu.memory_space<vmem>>
      %dma_start3A_16 = tpu.memref_squeeze %dma_start3A_15 : memref<1x128xi32, #tpu.memory_space<vmem>> -> memref<128xi32, #tpu.memory_space<vmem>>
      %dma_start3A_17 = arith.constant 0 : i32
      %dma_start3A_18 = arith.constant 0 : i32
      %dma_start3A_19 = tpu.memref_slice %arg2[%dma_start3A_17, %dma_start3A_18] : memref<10000x128xf32, #tpu.memory_space<hbm>> -> memref<10000x128xf32, #tpu.memory_space<hbm>>
      tpu.enqueue_indirect_dma source(%dma_start3A_19 : memref<10000x128xf32, #tpu.memory_space<hbm>>) target(%arg7 : memref<128x128xf32, #tpu.memory_space<vmem>>) offsets(%dma_start3A_16 : memref<128xi32, #tpu.memory_space<vmem>>) semaphore(%arg9 : memref<!tpu.dma_semaphore, #tpu.memory_space<semaphore_mem>>)
      %dma_wait3A = arith.constant 0 : i32
      %dma_wait3A_20 = arith.constant 0 : i32
      %dma_wait3A_21 = tpu.memref_slice %arg6[%dma_wait3A, %dma_wait3A_20] : memref<2x128xi32, #tpu.memory_space<vmem>> -> memref<1x128xi32, #tpu.memory_space<vmem>>
      %dma_wait3A_22 = tpu.memref_squeeze %dma_wait3A_21 : memref<1x128xi32, #tpu.memory_space<vmem>> -> memref<128xi32, #tpu.memory_space<vmem>>
      %dma_wait3A_23 = arith.constant 0 : i32
      %dma_wait3A_24 = arith.constant 0 : i32
      %dma_wait3A_25 = tpu.memref_slice %arg2[%dma_wait3A_23, %dma_wait3A_24] : memref<10000x128xf32, #tpu.memory_space<hbm>> -> memref<10000x128xf32, #tpu.memory_space<hbm>>
      tpu.wait_indirect_dma semaphore(%arg9 : memref<!tpu.dma_semaphore, #tpu.memory_space<semaphore_mem>>) src(%dma_wait3A_25 : memref<10000x128xf32, #tpu.memory_space<hbm>>) dst(%arg7 : memref<128x128xf32, #tpu.memory_space<vmem>>)
      %run_scoped3A = arith.constant 1 : i32
      "tpu.region"() ({
        %run_scoped3A_26 = tpu.sem_alloc : memref<!tpu.dma_semaphore, #tpu.memory_space<semaphore_mem>>
        %dma_start3A_27 = arith.constant 0 : i32
        %dma_start3A_28 = tpu.memref_slice %arg6[%run_scoped3A, %dma_start3A_27] : memref<2x128xi32, #tpu.memory_space<vmem>> -> memref<1x128xi32, #tpu.memory_space<vmem>>
        %dma_start3A_29 = tpu.memref_squeeze %dma_start3A_28 : memref<1x128xi32, #tpu.memory_space<vmem>> -> memref<128xi32, #tpu.memory_space<vmem>>
        %dma_start3A_30 = arith.constant 0 : i32
        %dma_start3A_31 = arith.constant 0 : i32
        %dma_start3A_32 = tpu.memref_slice %arg8[%dma_start3A_30, %dma_start3A_31] : memref<10112x128xf32, #tpu.memory_space<vmem_shared>> -> memref<10112x128xf32, #tpu.memory_space<vmem_shared>>
        tpu.enqueue_indirect_dma source(%arg7 : memref<128x128xf32, #tpu.memory_space<vmem>>) target(%dma_start3A_32 : memref<10112x128xf32, #tpu.memory_space<vmem_shared>>) offsets(%dma_start3A_29 : memref<128xi32, #tpu.memory_space<vmem>>) semaphore(%run_scoped3A_26 : memref<!tpu.dma_semaphore, #tpu.memory_space<semaphore_mem>>) {add = true}
        %dma_wait3A_33 = arith.constant 0 : i32
        %dma_wait3A_34 = tpu.memref_slice %arg6[%run_scoped3A, %dma_wait3A_33] : memref<2x128xi32, #tpu.memory_space<vmem>> -> memref<1x128xi32, #tpu.memory_space<vmem>>
        %dma_wait3A_35 = tpu.memref_squeeze %dma_wait3A_34 : memref<1x128xi32, #tpu.memory_space<vmem>> -> memref<128xi32, #tpu.memory_space<vmem>>
        %dma_wait3A_36 = arith.constant 0 : i32
        %dma_wait3A_37 = arith.constant 0 : i32
        %dma_wait3A_38 = tpu.memref_slice %arg8[%dma_wait3A_36, %dma_wait3A_37] : memref<10112x128xf32, #tpu.memory_space<vmem_shared>> -> memref<10112x128xf32, #tpu.memory_space<vmem_shared>>
        tpu.wait_indirect_dma semaphore(%run_scoped3A_26 : memref<!tpu.dma_semaphore, #tpu.memory_space<semaphore_mem>>) src(%arg7 : memref<128x128xf32, #tpu.memory_space<vmem>>) dst(%dma_wait3A_38 : memref<10112x128xf32, #tpu.memory_space<vmem_shared>>)
        tpu.yield
      }) : () -> ()
    }
    %scan3A_7 = arith.constant 79 : i32
    %barrier3A_8 = arith.constant 0 : index
    tpu.barrier barrier_id(%barrier3A_8)
    %mul3A_9 = arith.constant 632 : i32
    %mul3A_10 = arith.muli %arg1, %mul3A_9 : i32
    %mul3A_11 = arith.constant 632 : i32
    %mul3A_12 = arith.muli %arg1, %mul3A_11 : i32
    "tpu.region"() ({
      %run_scoped3A = tpu.sem_alloc : memref<!tpu.dma_semaphore, #tpu.memory_space<semaphore_mem>>
      %dma_start3A = arith.constant 0 : i32
      %dma_start3A_13 = tpu.memref_slice %arg5[%arg0, %mul3A_12, %dma_start3A] : memref<2x10112x128xf32, #tpu.memory_space<hbm>> -> memref<1x632x128xf32, #tpu.memory_space<hbm>>
      %dma_start3A_14 = tpu.memref_squeeze %dma_start3A_13 : memref<1x632x128xf32, #tpu.memory_space<hbm>> -> memref<632x128xf32, #tpu.memory_space<hbm>>
      %dma_start3A_15 = arith.constant 0 : i32
      %dma_start3A_16 = tpu.memref_slice %arg8[%mul3A_10, %dma_start3A_15] : memref<10112x128xf32, #tpu.memory_space<vmem_shared>> -> memref<632x128xf32, #tpu.memory_space<vmem_shared>>
      tpu.enqueue_dma source(%dma_start3A_16 : memref<632x128xf32, #tpu.memory_space<vmem_shared>>) target(%dma_start3A_14 : memref<632x128xf32, #tpu.memory_space<hbm>>) target_semaphore(%run_scoped3A : memref<!tpu.dma_semaphore, #tpu.memory_space<semaphore_mem>>)
      %dma_wait3A = arith.constant 0 : i32
      %dma_wait3A_17 = tpu.memref_slice %arg5[%arg0, %mul3A_12, %dma_wait3A] : memref<2x10112x128xf32, #tpu.memory_space<hbm>> -> memref<1x632x128xf32, #tpu.memory_space<hbm>>
      %dma_wait3A_18 = tpu.memref_squeeze %dma_wait3A_17 : memref<1x632x128xf32, #tpu.memory_space<hbm>> -> memref<632x128xf32, #tpu.memory_space<hbm>>
      %dma_wait3A_19 = arith.constant 0 : i32
      %dma_wait3A_20 = tpu.memref_slice %arg8[%mul3A_10, %dma_wait3A_19] : memref<10112x128xf32, #tpu.memory_space<vmem_shared>> -> memref<632x128xf32, #tpu.memory_space<vmem_shared>>
      tpu.wait_dma2 semaphore(%run_scoped3A : memref<!tpu.dma_semaphore, #tpu.memory_space<semaphore_mem>>) src(%dma_wait3A_20 : memref<632x128xf32, #tpu.memory_space<vmem_shared>>) dst(%dma_wait3A_18 : memref<632x128xf32, #tpu.memory_space<hbm>>)
      tpu.yield
    }) : () -> ()
    return
  }
}

#map = affine_map<(d0, d1) -> (0, 0)>
#map1 = affine_map<(d0, d1) -> (0, 0, 0, 0)>
#map2 = affine_map<(d0, d1) -> (0, 0, 0)>
module attributes {stable_mosaic.version = 14 : i64} {
  func.func @agg_kernel(%arg0: i32, %arg1: i32, %arg2: memref<10000x128xf32, #tpu.memory_space<hbm>>, %arg3: memref<32x79x2x128xi32, #tpu.memory_space<hbm>>, %arg4: memref<632x128xf32, #tpu.memory_space<hbm>>, %arg5: memref<2x10112x128xf32, #tpu.memory_space<hbm>>, %arg6: memref<2x128xi32, #tpu.memory_space<vmem>>, %arg7: memref<128x128xf32, #tpu.memory_space<vmem>>, %arg8: memref<10112x128xf32, #tpu.memory_space<vmem_shared>>, %arg9: memref<!tpu.dma_semaphore, #tpu.memory_space<semaphore_mem>>) attributes {dimension_semantics = [#tpu.dimension_semantics<core_parallel>, #tpu.dimension_semantics<subcore_parallel>], iteration_bounds = array<i64: 2, 16>, scalar_prefetch = 0 : i64, scratch_operands = 4 : i64, tpu.core_type = #tpu.core_type<sc_vector_subcore>, window_params = [{transform_indices = #map}, {transform_indices = #map1}, {transform_indices = #map}, {transform_indices = #map2}]} {
    %mul3A = arith.constant 2 : i32
    %mul3A_0 = arith.muli %arg1, %mul3A : i32
    %add3A = arith.addi %mul3A_0, %arg0 : i32
    %mul3A_1 = arith.constant 632 : i32
    %mul3A_2 = arith.muli %arg1, %mul3A_1 : i32
    "tpu.region"() ({
      %run_scoped3A = tpu.sem_alloc : memref<!tpu.dma_semaphore, #tpu.memory_space<semaphore_mem>>
      %dma_start3A = arith.constant 0 : i32
      %dma_start3A_13 = tpu.memref_slice %arg8[%mul3A_2, %dma_start3A] : memref<10112x128xf32, #tpu.memory_space<vmem_shared>> -> memref<632x128xf32, #tpu.memory_space<vmem_shared>>
      tpu.enqueue_dma source(%arg4 : memref<632x128xf32, #tpu.memory_space<hbm>>) target(%dma_start3A_13 : memref<632x128xf32, #tpu.memory_space<vmem_shared>>) target_semaphore(%run_scoped3A : memref<!tpu.dma_semaphore, #tpu.memory_space<semaphore_mem>>)
      %dma_wait3A = arith.constant 0 : i32
      %dma_wait3A_14 = tpu.memref_slice %arg8[%mul3A_2, %dma_wait3A] : memref<10112x128xf32, #tpu.memory_space<vmem_shared>> -> memref<632x128xf32, #tpu.memory_space<vmem_shared>>
      tpu.wait_dma2 semaphore(%run_scoped3A : memref<!tpu.dma_semaphore, #tpu.memory_space<semaphore_mem>>) src(%arg4 : memref<632x128xf32, #tpu.memory_space<hbm>>) dst(%dma_wait3A_14 : memref<632x128xf32, #tpu.memory_space<vmem_shared>>)
      tpu.yield
    }) : () -> ()
    %barrier3A = arith.constant 0 : index
    tpu.barrier barrier_id(%barrier3A)
    %scan3A = arith.constant 0 : i32
    %scan3A_3 = arith.constant 0 : i32
    %scan3A_4 = arith.constant 79 : i32
    %scan3A_5 = arith.addi %scan3A_3, %scan3A_4 : i32
    %scan3A_6 = arith.constant 1 : i32
    scf.for %scan3A_13 = %scan3A_3 to %scan3A_5 step %scan3A_6  : i32 {
      "tpu.region"() ({
        %run_scoped3A_26 = tpu.sem_alloc : memref<!tpu.dma_semaphore, #tpu.memory_space<semaphore_mem>>
        %dma_start3A_27 = arith.constant 0 : i32
        %dma_start3A_28 = arith.constant 0 : i32
        %dma_start3A_29 = tpu.memref_slice %arg3[%add3A, %scan3A_13, %dma_start3A_27, %dma_start3A_28] : memref<32x79x2x128xi32, #tpu.memory_space<hbm>> -> memref<1x1x2x128xi32, #tpu.memory_space<hbm>>
        %dma_start3A_30 = tpu.memref_squeeze %dma_start3A_29 : memref<1x1x2x128xi32, #tpu.memory_space<hbm>> -> memref<2x128xi32, #tpu.memory_space<hbm>>
        %dma_start3A_31 = arith.constant 0 : i32
        %dma_start3A_32 = arith.constant 0 : i32
        %dma_start3A_33 = tpu.memref_slice %arg3[%add3A, %scan3A_13, %dma_start3A_31, %dma_start3A_32] : memref<32x79x2x128xi32, #tpu.memory_space<hbm>> -> memref<1x1x2x128xi32, #tpu.memory_space<hbm>>
        %dma_start3A_34 = tpu.memref_squeeze %dma_start3A_33 : memref<1x1x2x128xi32, #tpu.memory_space<hbm>> -> memref<2x128xi32, #tpu.memory_space<hbm>>
        tpu.enqueue_dma source(%dma_start3A_34 : memref<2x128xi32, #tpu.memory_space<hbm>>) target(%arg6 : memref<2x128xi32, #tpu.memory_space<vmem>>) target_semaphore(%run_scoped3A_26 : memref<!tpu.dma_semaphore, #tpu.memory_space<semaphore_mem>>)
        %dma_wait3A_35 = arith.constant 0 : i32
        %dma_wait3A_36 = arith.constant 0 : i32
        %dma_wait3A_37 = tpu.memref_slice %arg3[%add3A, %scan3A_13, %dma_wait3A_35, %dma_wait3A_36] : memref<32x79x2x128xi32, #tpu.memory_space<hbm>> -> memref<1x1x2x128xi32, #tpu.memory_space<hbm>>
        %dma_wait3A_38 = tpu.memref_squeeze %dma_wait3A_37 : memref<1x1x2x128xi32, #tpu.memory_space<hbm>> -> memref<2x128xi32, #tpu.memory_space<hbm>>
        %dma_wait3A_39 = arith.constant 0 : i32
        %dma_wait3A_40 = arith.constant 0 : i32
        %dma_wait3A_41 = tpu.memref_slice %arg3[%add3A, %scan3A_13, %dma_wait3A_39, %dma_wait3A_40] : memref<32x79x2x128xi32, #tpu.memory_space<hbm>> -> memref<1x1x2x128xi32, #tpu.memory_space<hbm>>
        %dma_wait3A_42 = tpu.memref_squeeze %dma_wait3A_41 : memref<1x1x2x128xi32, #tpu.memory_space<hbm>> -> memref<2x128xi32, #tpu.memory_space<hbm>>
        tpu.wait_dma2 semaphore(%run_scoped3A_26 : memref<!tpu.dma_semaphore, #tpu.memory_space<semaphore_mem>>) src(%dma_wait3A_42 : memref<2x128xi32, #tpu.memory_space<hbm>>) dst(%arg6 : memref<2x128xi32, #tpu.memory_space<vmem>>)
        tpu.yield
      }) : () -> ()
      %dma_start3A = arith.constant 0 : i32
      %dma_start3A_14 = arith.constant 0 : i32
      %dma_start3A_15 = tpu.memref_slice %arg6[%dma_start3A, %dma_start3A_14] : memref<2x128xi32, #tpu.memory_space<vmem>> -> memref<1x128xi32, #tpu.memory_space<vmem>>
      %dma_start3A_16 = tpu.memref_squeeze %dma_start3A_15 : memref<1x128xi32, #tpu.memory_space<vmem>> -> memref<128xi32, #tpu.memory_space<vmem>>
      %dma_start3A_17 = arith.constant 0 : i32
      %dma_start3A_18 = arith.constant 0 : i32
      %dma_start3A_19 = tpu.memref_slice %arg2[%dma_start3A_17, %dma_start3A_18] : memref<10000x128xf32, #tpu.memory_space<hbm>> -> memref<10000x128xf32, #tpu.memory_space<hbm>>
      tpu.enqueue_indirect_dma source(%dma_start3A_19 : memref<10000x128xf32, #tpu.memory_space<hbm>>) target(%arg7 : memref<128x128xf32, #tpu.memory_space<vmem>>) offsets(%dma_start3A_16 : memref<128xi32, #tpu.memory_space<vmem>>) semaphore(%arg9 : memref<!tpu.dma_semaphore, #tpu.memory_space<semaphore_mem>>)
      %dma_wait3A = arith.constant 0 : i32
      %dma_wait3A_20 = arith.constant 0 : i32
      %dma_wait3A_21 = tpu.memref_slice %arg6[%dma_wait3A, %dma_wait3A_20] : memref<2x128xi32, #tpu.memory_space<vmem>> -> memref<1x128xi32, #tpu.memory_space<vmem>>
      %dma_wait3A_22 = tpu.memref_squeeze %dma_wait3A_21 : memref<1x128xi32, #tpu.memory_space<vmem>> -> memref<128xi32, #tpu.memory_space<vmem>>
      %dma_wait3A_23 = arith.constant 0 : i32
      %dma_wait3A_24 = arith.constant 0 : i32
      %dma_wait3A_25 = tpu.memref_slice %arg2[%dma_wait3A_23, %dma_wait3A_24] : memref<10000x128xf32, #tpu.memory_space<hbm>> -> memref<10000x128xf32, #tpu.memory_space<hbm>>
      tpu.wait_indirect_dma semaphore(%arg9 : memref<!tpu.dma_semaphore, #tpu.memory_space<semaphore_mem>>) src(%dma_wait3A_25 : memref<10000x128xf32, #tpu.memory_space<hbm>>) dst(%arg7 : memref<128x128xf32, #tpu.memory_space<vmem>>)
      %run_scoped3A = arith.constant 1 : i32
      "tpu.region"() ({
        %run_scoped3A_26 = tpu.sem_alloc : memref<!tpu.dma_semaphore, #tpu.memory_space<semaphore_mem>>
        %dma_start3A_27 = arith.constant 0 : i32
        %dma_start3A_28 = tpu.memref_slice %arg6[%run_scoped3A, %dma_start3A_27] : memref<2x128xi32, #tpu.memory_space<vmem>> -> memref<1x128xi32, #tpu.memory_space<vmem>>
        %dma_start3A_29 = tpu.memref_squeeze %dma_start3A_28 : memref<1x128xi32, #tpu.memory_space<vmem>> -> memref<128xi32, #tpu.memory_space<vmem>>
        %dma_start3A_30 = arith.constant 0 : i32
        %dma_start3A_31 = arith.constant 0 : i32
        %dma_start3A_32 = tpu.memref_slice %arg8[%dma_start3A_30, %dma_start3A_31] : memref<10112x128xf32, #tpu.memory_space<vmem_shared>> -> memref<10112x128xf32, #tpu.memory_space<vmem_shared>>
        tpu.enqueue_indirect_dma source(%arg7 : memref<128x128xf32, #tpu.memory_space<vmem>>) target(%dma_start3A_32 : memref<10112x128xf32, #tpu.memory_space<vmem_shared>>) offsets(%dma_start3A_29 : memref<128xi32, #tpu.memory_space<vmem>>) semaphore(%run_scoped3A_26 : memref<!tpu.dma_semaphore, #tpu.memory_space<semaphore_mem>>) {add = true}
        %dma_wait3A_33 = arith.constant 0 : i32
        %dma_wait3A_34 = tpu.memref_slice %arg6[%run_scoped3A, %dma_wait3A_33] : memref<2x128xi32, #tpu.memory_space<vmem>> -> memref<1x128xi32, #tpu.memory_space<vmem>>
        %dma_wait3A_35 = tpu.memref_squeeze %dma_wait3A_34 : memref<1x128xi32, #tpu.memory_space<vmem>> -> memref<128xi32, #tpu.memory_space<vmem>>
        %dma_wait3A_36 = arith.constant 0 : i32
        %dma_wait3A_37 = arith.constant 0 : i32
        %dma_wait3A_38 = tpu.memref_slice %arg8[%dma_wait3A_36, %dma_wait3A_37] : memref<10112x128xf32, #tpu.memory_space<vmem_shared>> -> memref<10112x128xf32, #tpu.memory_space<vmem_shared>>
        tpu.wait_indirect_dma semaphore(%run_scoped3A_26 : memref<!tpu.dma_semaphore, #tpu.memory_space<semaphore_mem>>) src(%arg7 : memref<128x128xf32, #tpu.memory_space<vmem>>) dst(%dma_wait3A_38 : memref<10112x128xf32, #tpu.memory_space<vmem_shared>>)
        tpu.yield
      }) : () -> ()
    }
    %scan3A_7 = arith.constant 79 : i32
    %barrier3A_8 = arith.constant 0 : index
    tpu.barrier barrier_id(%barrier3A_8)
    %mul3A_9 = arith.constant 632 : i32
    %mul3A_10 = arith.muli %arg1, %mul3A_9 : i32
    %mul3A_11 = arith.constant 632 : i32
    %mul3A_12 = arith.muli %arg1, %mul3A_11 : i32
    "tpu.region"() ({
      %run_scoped3A = tpu.sem_alloc : memref<!tpu.dma_semaphore, #tpu.memory_space<semaphore_mem>>
      %dma_start3A = arith.constant 0 : i32
      %dma_start3A_13 = tpu.memref_slice %arg5[%arg0, %mul3A_12, %dma_start3A] : memref<2x10112x128xf32, #tpu.memory_space<hbm>> -> memref<1x632x128xf32, #tpu.memory_space<hbm>>
      %dma_start3A_14 = tpu.memref_squeeze %dma_start3A_13 : memref<1x632x128xf32, #tpu.memory_space<hbm>> -> memref<632x128xf32, #tpu.memory_space<hbm>>
      %dma_start3A_15 = arith.constant 0 : i32
      %dma_start3A_16 = tpu.memref_slice %arg8[%mul3A_10, %dma_start3A_15] : memref<10112x128xf32, #tpu.memory_space<vmem_shared>> -> memref<632x128xf32, #tpu.memory_space<vmem_shared>>
      tpu.enqueue_dma source(%dma_start3A_16 : memref<632x128xf32, #tpu.memory_space<vmem_shared>>) target(%dma_start3A_14 : memref<632x128xf32, #tpu.memory_space<hbm>>) target_semaphore(%run_scoped3A : memref<!tpu.dma_semaphore, #tpu.memory_space<semaphore_mem>>)
      %dma_wait3A = arith.constant 0 : i32
      %dma_wait3A_17 = tpu.memref_slice %arg5[%arg0, %mul3A_12, %dma_wait3A] : memref<2x10112x128xf32, #tpu.memory_space<hbm>> -> memref<1x632x128xf32, #tpu.memory_space<hbm>>
      %dma_wait3A_18 = tpu.memref_squeeze %dma_wait3A_17 : memref<1x632x128xf32, #tpu.memory_space<hbm>> -> memref<632x128xf32, #tpu.memory_space<hbm>>
      %dma_wait3A_19 = arith.constant 0 : i32
      %dma_wait3A_20 = tpu.memref_slice %arg8[%mul3A_10, %dma_wait3A_19] : memref<10112x128xf32, #tpu.memory_space<vmem_shared>> -> memref<632x128xf32, #tpu.memory_space<vmem_shared>>
      tpu.wait_dma2 semaphore(%run_scoped3A : memref<!tpu.dma_semaphore, #tpu.memory_space<semaphore_mem>>) src(%dma_wait3A_20 : memref<632x128xf32, #tpu.memory_space<vmem_shared>>) dst(%dma_wait3A_18 : memref<632x128xf32, #tpu.memory_space<hbm>>)
      tpu.yield
    }) : () -> ()
    return
  }
}

#map = affine_map<(d0, d1) -> (0, 0, 0, 0)>
#map1 = affine_map<(d0, d1) -> (0, 0)>
#map2 = affine_map<(d0, d1) -> (0, 0, 0)>
module attributes {stable_mosaic.version = 14 : i64} {
  func.func @deg_kernel(%arg0: i32, %arg1: i32, %arg2: memref<32x79x2x128xi32, #tpu.memory_space<hbm>>, %arg3: memref<128x128xf32, #tpu.memory_space<hbm>>, %arg4: memref<632x128xf32, #tpu.memory_space<hbm>>, %arg5: memref<2x10112x128xf32, #tpu.memory_space<hbm>>, %arg6: memref<1x128xi32, #tpu.memory_space<vmem>>, %arg7: memref<128x128xf32, #tpu.memory_space<vmem>>, %arg8: memref<10112x128xf32, #tpu.memory_space<vmem_shared>>) attributes {dimension_semantics = [#tpu.dimension_semantics<core_parallel>, #tpu.dimension_semantics<subcore_parallel>], iteration_bounds = array<i64: 2, 16>, scalar_prefetch = 0 : i64, scratch_operands = 3 : i64, tpu.core_type = #tpu.core_type<sc_vector_subcore>, window_params = [{transform_indices = #map}, {transform_indices = #map1}, {transform_indices = #map1}, {transform_indices = #map2}]} {
    %mul3A = arith.constant 2 : i32
    %mul3A_0 = arith.muli %arg1, %mul3A : i32
    %add3A = arith.addi %mul3A_0, %arg0 : i32
    "tpu.region"() ({
      %run_scoped3A = tpu.sem_alloc : memref<!tpu.dma_semaphore, #tpu.memory_space<semaphore_mem>>
      tpu.enqueue_dma source(%arg3 : memref<128x128xf32, #tpu.memory_space<hbm>>) target(%arg7 : memref<128x128xf32, #tpu.memory_space<vmem>>) target_semaphore(%run_scoped3A : memref<!tpu.dma_semaphore, #tpu.memory_space<semaphore_mem>>)
      tpu.wait_dma2 semaphore(%run_scoped3A : memref<!tpu.dma_semaphore, #tpu.memory_space<semaphore_mem>>) src(%arg3 : memref<128x128xf32, #tpu.memory_space<hbm>>) dst(%arg7 : memref<128x128xf32, #tpu.memory_space<vmem>>)
      tpu.yield
    }) : () -> ()
    %mul3A_1 = arith.constant 632 : i32
    %mul3A_2 = arith.muli %arg1, %mul3A_1 : i32
    "tpu.region"() ({
      %run_scoped3A = tpu.sem_alloc : memref<!tpu.dma_semaphore, #tpu.memory_space<semaphore_mem>>
      %dma_start3A = arith.constant 0 : i32
      %dma_start3A_13 = tpu.memref_slice %arg8[%mul3A_2, %dma_start3A] : memref<10112x128xf32, #tpu.memory_space<vmem_shared>> -> memref<632x128xf32, #tpu.memory_space<vmem_shared>>
      tpu.enqueue_dma source(%arg4 : memref<632x128xf32, #tpu.memory_space<hbm>>) target(%dma_start3A_13 : memref<632x128xf32, #tpu.memory_space<vmem_shared>>) target_semaphore(%run_scoped3A : memref<!tpu.dma_semaphore, #tpu.memory_space<semaphore_mem>>)
      %dma_wait3A = arith.constant 0 : i32
      %dma_wait3A_14 = tpu.memref_slice %arg8[%mul3A_2, %dma_wait3A] : memref<10112x128xf32, #tpu.memory_space<vmem_shared>> -> memref<632x128xf32, #tpu.memory_space<vmem_shared>>
      tpu.wait_dma2 semaphore(%run_scoped3A : memref<!tpu.dma_semaphore, #tpu.memory_space<semaphore_mem>>) src(%arg4 : memref<632x128xf32, #tpu.memory_space<hbm>>) dst(%dma_wait3A_14 : memref<632x128xf32, #tpu.memory_space<vmem_shared>>)
      tpu.yield
    }) : () -> ()
    %barrier3A = arith.constant 0 : index
    tpu.barrier barrier_id(%barrier3A)
    %scan3A = arith.constant 0 : i32
    %scan3A_3 = arith.constant 0 : i32
    %scan3A_4 = arith.constant 79 : i32
    %scan3A_5 = arith.addi %scan3A_3, %scan3A_4 : i32
    %scan3A_6 = arith.constant 1 : i32
    scf.for %scan3A_13 = %scan3A_3 to %scan3A_5 step %scan3A_6  : i32 {
      %run_scoped3A = arith.constant 1 : i32
      %run_scoped3A_14 = arith.constant 0 : i32
      "tpu.region"() ({
        %run_scoped3A_16 = tpu.sem_alloc : memref<!tpu.dma_semaphore, #tpu.memory_space<semaphore_mem>>
        %dma_start3A = arith.constant 0 : i32
        %dma_start3A_17 = tpu.memref_slice %arg6[%run_scoped3A_14, %dma_start3A] : memref<1x128xi32, #tpu.memory_space<vmem>> -> memref<1x128xi32, #tpu.memory_space<vmem>>
        %dma_start3A_18 = tpu.memref_squeeze %dma_start3A_17 : memref<1x128xi32, #tpu.memory_space<vmem>> -> memref<128xi32, #tpu.memory_space<vmem>>
        %dma_start3A_19 = arith.constant 0 : i32
        %dma_start3A_20 = tpu.memref_slice %arg2[%add3A, %scan3A_13, %run_scoped3A, %dma_start3A_19] : memref<32x79x2x128xi32, #tpu.memory_space<hbm>> -> memref<1x1x1x128xi32, #tpu.memory_space<hbm>>
        %dma_start3A_21 = tpu.memref_squeeze %dma_start3A_20 : memref<1x1x1x128xi32, #tpu.memory_space<hbm>> -> memref<128xi32, #tpu.memory_space<hbm>>
        %dma_start3A_22 = arith.constant 0 : i32
        %dma_start3A_23 = tpu.memref_slice %arg6[%run_scoped3A_14, %dma_start3A_22] : memref<1x128xi32, #tpu.memory_space<vmem>> -> memref<1x128xi32, #tpu.memory_space<vmem>>
        %dma_start3A_24 = tpu.memref_squeeze %dma_start3A_23 : memref<1x128xi32, #tpu.memory_space<vmem>> -> memref<128xi32, #tpu.memory_space<vmem>>
        %dma_start3A_25 = arith.constant 0 : i32
        %dma_start3A_26 = tpu.memref_slice %arg2[%add3A, %scan3A_13, %run_scoped3A, %dma_start3A_25] : memref<32x79x2x128xi32, #tpu.memory_space<hbm>> -> memref<1x1x1x128xi32, #tpu.memory_space<hbm>>
        %dma_start3A_27 = tpu.memref_squeeze %dma_start3A_26 : memref<1x1x1x128xi32, #tpu.memory_space<hbm>> -> memref<128xi32, #tpu.memory_space<hbm>>
        tpu.enqueue_dma source(%dma_start3A_27 : memref<128xi32, #tpu.memory_space<hbm>>) target(%dma_start3A_24 : memref<128xi32, #tpu.memory_space<vmem>>) target_semaphore(%run_scoped3A_16 : memref<!tpu.dma_semaphore, #tpu.memory_space<semaphore_mem>>)
        %dma_wait3A = arith.constant 0 : i32
        %dma_wait3A_28 = tpu.memref_slice %arg6[%run_scoped3A_14, %dma_wait3A] : memref<1x128xi32, #tpu.memory_space<vmem>> -> memref<1x128xi32, #tpu.memory_space<vmem>>
        %dma_wait3A_29 = tpu.memref_squeeze %dma_wait3A_28 : memref<1x128xi32, #tpu.memory_space<vmem>> -> memref<128xi32, #tpu.memory_space<vmem>>
        %dma_wait3A_30 = arith.constant 0 : i32
        %dma_wait3A_31 = tpu.memref_slice %arg2[%add3A, %scan3A_13, %run_scoped3A, %dma_wait3A_30] : memref<32x79x2x128xi32, #tpu.memory_space<hbm>> -> memref<1x1x1x128xi32, #tpu.memory_space<hbm>>
        %dma_wait3A_32 = tpu.memref_squeeze %dma_wait3A_31 : memref<1x1x1x128xi32, #tpu.memory_space<hbm>> -> memref<128xi32, #tpu.memory_space<hbm>>
        %dma_wait3A_33 = arith.constant 0 : i32
        %dma_wait3A_34 = tpu.memref_slice %arg6[%run_scoped3A_14, %dma_wait3A_33] : memref<1x128xi32, #tpu.memory_space<vmem>> -> memref<1x128xi32, #tpu.memory_space<vmem>>
        %dma_wait3A_35 = tpu.memref_squeeze %dma_wait3A_34 : memref<1x128xi32, #tpu.memory_space<vmem>> -> memref<128xi32, #tpu.memory_space<vmem>>
        %dma_wait3A_36 = arith.constant 0 : i32
        %dma_wait3A_37 = tpu.memref_slice %arg2[%add3A, %scan3A_13, %run_scoped3A, %dma_wait3A_36] : memref<32x79x2x128xi32, #tpu.memory_space<hbm>> -> memref<1x1x1x128xi32, #tpu.memory_space<hbm>>
        %dma_wait3A_38 = tpu.memref_squeeze %dma_wait3A_37 : memref<1x1x1x128xi32, #tpu.memory_space<hbm>> -> memref<128xi32, #tpu.memory_space<hbm>>
        tpu.wait_dma2 semaphore(%run_scoped3A_16 : memref<!tpu.dma_semaphore, #tpu.memory_space<semaphore_mem>>) src(%dma_wait3A_38 : memref<128xi32, #tpu.memory_space<hbm>>) dst(%dma_wait3A_35 : memref<128xi32, #tpu.memory_space<vmem>>)
        tpu.yield
      }) : () -> ()
      %run_scoped3A_15 = arith.constant 0 : i32
      "tpu.region"() ({
        %run_scoped3A_16 = tpu.sem_alloc : memref<!tpu.dma_semaphore, #tpu.memory_space<semaphore_mem>>
        %dma_start3A = arith.constant 0 : i32
        %dma_start3A_17 = tpu.memref_slice %arg6[%run_scoped3A_15, %dma_start3A] : memref<1x128xi32, #tpu.memory_space<vmem>> -> memref<1x128xi32, #tpu.memory_space<vmem>>
        %dma_start3A_18 = tpu.memref_squeeze %dma_start3A_17 : memref<1x128xi32, #tpu.memory_space<vmem>> -> memref<128xi32, #tpu.memory_space<vmem>>
        %dma_start3A_19 = arith.constant 0 : i32
        %dma_start3A_20 = arith.constant 0 : i32
        %dma_start3A_21 = tpu.memref_slice %arg8[%dma_start3A_19, %dma_start3A_20] : memref<10112x128xf32, #tpu.memory_space<vmem_shared>> -> memref<10112x128xf32, #tpu.memory_space<vmem_shared>>
        tpu.enqueue_indirect_dma source(%arg7 : memref<128x128xf32, #tpu.memory_space<vmem>>) target(%dma_start3A_21 : memref<10112x128xf32, #tpu.memory_space<vmem_shared>>) offsets(%dma_start3A_18 : memref<128xi32, #tpu.memory_space<vmem>>) semaphore(%run_scoped3A_16 : memref<!tpu.dma_semaphore, #tpu.memory_space<semaphore_mem>>) {add = true}
        %dma_wait3A = arith.constant 0 : i32
        %dma_wait3A_22 = tpu.memref_slice %arg6[%run_scoped3A_15, %dma_wait3A] : memref<1x128xi32, #tpu.memory_space<vmem>> -> memref<1x128xi32, #tpu.memory_space<vmem>>
        %dma_wait3A_23 = tpu.memref_squeeze %dma_wait3A_22 : memref<1x128xi32, #tpu.memory_space<vmem>> -> memref<128xi32, #tpu.memory_space<vmem>>
        %dma_wait3A_24 = arith.constant 0 : i32
        %dma_wait3A_25 = arith.constant 0 : i32
        %dma_wait3A_26 = tpu.memref_slice %arg8[%dma_wait3A_24, %dma_wait3A_25] : memref<10112x128xf32, #tpu.memory_space<vmem_shared>> -> memref<10112x128xf32, #tpu.memory_space<vmem_shared>>
        tpu.wait_indirect_dma semaphore(%run_scoped3A_16 : memref<!tpu.dma_semaphore, #tpu.memory_space<semaphore_mem>>) src(%arg7 : memref<128x128xf32, #tpu.memory_space<vmem>>) dst(%dma_wait3A_26 : memref<10112x128xf32, #tpu.memory_space<vmem_shared>>)
        tpu.yield
      }) : () -> ()
    }
    %scan3A_7 = arith.constant 79 : i32
    %barrier3A_8 = arith.constant 0 : index
    tpu.barrier barrier_id(%barrier3A_8)
    %mul3A_9 = arith.constant 632 : i32
    %mul3A_10 = arith.muli %arg1, %mul3A_9 : i32
    %mul3A_11 = arith.constant 632 : i32
    %mul3A_12 = arith.muli %arg1, %mul3A_11 : i32
    "tpu.region"() ({
      %run_scoped3A = tpu.sem_alloc : memref<!tpu.dma_semaphore, #tpu.memory_space<semaphore_mem>>
      %dma_start3A = arith.constant 0 : i32
      %dma_start3A_13 = tpu.memref_slice %arg5[%arg0, %mul3A_12, %dma_start3A] : memref<2x10112x128xf32, #tpu.memory_space<hbm>> -> memref<1x632x128xf32, #tpu.memory_space<hbm>>
      %dma_start3A_14 = tpu.memref_squeeze %dma_start3A_13 : memref<1x632x128xf32, #tpu.memory_space<hbm>> -> memref<632x128xf32, #tpu.memory_space<hbm>>
      %dma_start3A_15 = arith.constant 0 : i32
      %dma_start3A_16 = tpu.memref_slice %arg8[%mul3A_10, %dma_start3A_15] : memref<10112x128xf32, #tpu.memory_space<vmem_shared>> -> memref<632x128xf32, #tpu.memory_space<vmem_shared>>
      tpu.enqueue_dma source(%dma_start3A_16 : memref<632x128xf32, #tpu.memory_space<vmem_shared>>) target(%dma_start3A_14 : memref<632x128xf32, #tpu.memory_space<hbm>>) target_semaphore(%run_scoped3A : memref<!tpu.dma_semaphore, #tpu.memory_space<semaphore_mem>>)
      %dma_wait3A = arith.constant 0 : i32
      %dma_wait3A_17 = tpu.memref_slice %arg5[%arg0, %mul3A_12, %dma_wait3A] : memref<2x10112x128xf32, #tpu.memory_space<hbm>> -> memref<1x632x128xf32, #tpu.memory_space<hbm>>
      %dma_wait3A_18 = tpu.memref_squeeze %dma_wait3A_17 : memref<1x632x128xf32, #tpu.memory_space<hbm>> -> memref<632x128xf32, #tpu.memory_space<hbm>>
      %dma_wait3A_19 = arith.constant 0 : i32
      %dma_wait3A_20 = tpu.memref_slice %arg8[%mul3A_10, %dma_wait3A_19] : memref<10112x128xf32, #tpu.memory_space<vmem_shared>> -> memref<632x128xf32, #tpu.memory_space<vmem_shared>>
      tpu.wait_dma2 semaphore(%run_scoped3A : memref<!tpu.dma_semaphore, #tpu.memory_space<semaphore_mem>>) src(%dma_wait3A_20 : memref<632x128xf32, #tpu.memory_space<vmem_shared>>) dst(%dma_wait3A_18 : memref<632x128xf32, #tpu.memory_space<hbm>>)
      tpu.yield
    }) : () -> ()
    return
  }
}

module attributes {stable_mosaic.version = 14 : i64} {
  func.func @_entry_body(%arg0: i32, %arg1: memref<2x1000x128xf32, #tpu.memory_space<vmem>>, %arg2: memref<1000x128xf32, #tpu.memory_space<vmem>>, %arg3: memref<128x128xf32, #tpu.memory_space<vmem>>, %arg4: memref<1000x1xf32, #tpu.memory_space<vmem>>, %arg5: memref<1000x128xf32, #tpu.memory_space<vmem>>) attributes {dimension_semantics = [#tpu.dimension_semantics<arbitrary>], iteration_bounds = array<i64: 10>, scalar_prefetch = 0 : i64, scratch_operands = 0 : i64, tpu.core_type = #tpu.core_type<tc>, window_params = [{transform_indices = @transform_0, window_bounds = array<i64: 2, 1000, 128>}, {transform_indices = @transform_1, window_bounds = array<i64: 1000, 128>}, {pipeline_mode = #tpu.pipeline_mode<synchronous>, transform_indices = @transform_2, window_bounds = array<i64: 128, 128>}, {transform_indices = @transform_3, window_bounds = array<i64: 1000, 1>}, {transform_indices = @transform_4, window_bounds = array<i64: 1000, 128>}]} {
    %get3A = arith.constant 0 : index
    %get3A_0 = arith.constant 0 : index
    %get3A_1 = arith.constant 0 : index
    %get3A_2 = vector.load %arg1[%get3A, %get3A_0, %get3A_1] : memref<2x1000x128xf32, #tpu.memory_space<vmem>>, vector<2x1000x128xf32>
    %slice3A = vector.extract_strided_slice %get3A_2 {offsets = [0, 0, 0], sizes = [1, 1000, 1], strides = [1, 1, 1]} : vector<2x1000x128xf32> to vector<1x1000x1xf32>
    %squeeze3A = vector.shape_cast %slice3A : vector<1x1000x1xf32> to vector<1000x1xf32>
    %slice3A_3 = vector.extract_strided_slice %get3A_2 {offsets = [1, 0, 0], sizes = [1, 1000, 1], strides = [1, 1, 1]} : vector<2x1000x128xf32> to vector<1x1000x1xf32>
    %squeeze3A_4 = vector.shape_cast %slice3A_3 : vector<1x1000x1xf32> to vector<1000x1xf32>
    %add3A = arith.addf %squeeze3A, %squeeze3A_4 : vector<1000x1xf32>
    %add3A_5 = arith.constant 1.000000e+00 : f32
    %add3A_6 = vector.broadcast %add3A_5 : f32 to vector<1000x1xf32>
    %add3A_7 = arith.addf %add3A, %add3A_6 : vector<1000x1xf32>
    %rsqrt3A = math.rsqrt %add3A_7 : vector<1000x1xf32>
    %swap3A = arith.constant 0 : index
    %swap3A_8 = arith.constant 0 : index
    %swap3A_9 = vector.load %arg4[%swap3A, %swap3A_8] : memref<1000x1xf32, #tpu.memory_space<vmem>>, vector<1000x1xf32>
    tpu.vector_store %arg4[%swap3A, %swap3A_8], %rsqrt3A {strides = array<i32>} : memref<1000x1xf32, #tpu.memory_space<vmem>>, vector<1000x1xf32>,
    %get3A_10 = arith.constant 0 : index
    %get3A_11 = arith.constant 0 : index
    %get3A_12 = vector.load %arg2[%get3A_10, %get3A_11] : memref<1000x128xf32, #tpu.memory_space<vmem>>, vector<1000x128xf32>
    %get3A_13 = arith.constant 0 : index
    %get3A_14 = arith.constant 0 : index
    %get3A_15 = vector.load %arg3[%get3A_13, %get3A_14] : memref<128x128xf32, #tpu.memory_space<vmem>>, vector<128x128xf32>
    %dot_general3A = arith.constant dense<0.000000e+00> : vector<1000x128xf32>
    %dot_general3A_16 = tpu.matmul %get3A_12, %get3A_15, %dot_general3A {dimension_numbers = #tpu.dot_dimension_numbers<[1], [0], [0], [1], [0, 0, 1, 1], [], []>, transpose_lhs_hint = false} : vector<1000x128xf32>, vector<128x128xf32>, vector<1000x128xf32> -> vector<1000x128xf32>
    %mul3A = vector.broadcast %rsqrt3A : vector<1000x1xf32> to vector<1000x128xf32>
    %mul3A_17 = arith.mulf %dot_general3A_16, %mul3A : vector<1000x128xf32>
    %swap3A_18 = arith.constant 0 : index
    %swap3A_19 = arith.constant 0 : index
    %swap3A_20 = vector.load %arg5[%swap3A_18, %swap3A_19] : memref<1000x128xf32, #tpu.memory_space<vmem>>, vector<1000x128xf32>
    tpu.vector_store %arg5[%swap3A_18, %swap3A_19], %mul3A_17 {strides = array<i32>} : memref<1000x128xf32, #tpu.memory_space<vmem>>, vector<1000x128xf32>,
    return
  }
  func.func @transform_0(%arg0: i32) -> (i32, i32, i32) {
    %c0_i32 = arith.constant 0 : i32
    %c0_i32_0 = arith.constant 0 : i32
    %c0_i32_1 = arith.constant 0 : i32
    return %c0_i32, %arg0, %c0_i32_0 : i32, i32, i32
  }
  func.func @transform_1(%arg0: i32) -> (i32, i32) {
    %c0_i32 = arith.constant 0 : i32
    %c0_i32_0 = arith.constant 0 : i32
    return %arg0, %c0_i32 : i32, i32
  }
  func.func @transform_2(%arg0: i32) -> (i32, i32) {
    %c0_i32 = arith.constant 0 : i32
    %c0_i32_0 = arith.constant 0 : i32
    %c0_i32_1 = arith.constant 0 : i32
    return %c0_i32, %c0_i32_0 : i32, i32
  }
  func.func @transform_3(%arg0: i32) -> (i32, i32) {
    %c0_i32 = arith.constant 0 : i32
    %c0_i32_0 = arith.constant 0 : i32
    return %arg0, %c0_i32 : i32, i32
  }
  func.func @transform_4(%arg0: i32) -> (i32, i32) {
    %c0_i32 = arith.constant 0 : i32
    %c0_i32_0 = arith.constant 0 : i32
    return %arg0, %c0_i32 : i32, i32
  }
}

module attributes {stable_mosaic.version = 14 : i64} {
  func.func @_combine_body(%arg0: i32, %arg1: memref<2x1000x128xf32, #tpu.memory_space<vmem>>, %arg2: memref<1000x128xf32, #tpu.memory_space<vmem>>, %arg3: memref<1000x1xf32, #tpu.memory_space<vmem>>, %arg4: memref<1000x128xf32, #tpu.memory_space<vmem>>, %arg5: memref<128x128xf32, #tpu.memory_space<vmem>>, %arg6: memref<128x128xf32, #tpu.memory_space<vmem>>, %arg7: memref<1x128xf32, #tpu.memory_space<vmem>>, %arg8: memref<1x128xf32, #tpu.memory_space<vmem>>, %arg9: memref<1x128xf32, #tpu.memory_space<vmem>>, %arg10: memref<1x128xf32, #tpu.memory_space<vmem>>, %arg11: memref<1x128xf32, #tpu.memory_space<vmem>>, %arg12: memref<1x128xf32, #tpu.memory_space<vmem>>, %arg13: memref<1000x128xf32, #tpu.memory_space<vmem>>, %arg14: memref<1000x128xf32, #tpu.memory_space<vmem>>) attributes {dimension_semantics = [#tpu.dimension_semantics<arbitrary>], iteration_bounds = array<i64: 10>, scalar_prefetch = 0 : i64, scratch_operands = 0 : i64, tpu.core_type = #tpu.core_type<tc>, window_params = [{transform_indices = @transform_0, window_bounds = array<i64: 2, 1000, 128>}, {transform_indices = @transform_1, window_bounds = array<i64: 1000, 128>}, {transform_indices = @transform_2, window_bounds = array<i64: 1000, 1>}, {transform_indices = @transform_3, window_bounds = array<i64: 1000, 128>}, {pipeline_mode = #tpu.pipeline_mode<synchronous>, transform_indices = @transform_4, window_bounds = array<i64: 128, 128>}, {pipeline_mode = #tpu.pipeline_mode<synchronous>, transform_indices = @transform_5, window_bounds = array<i64: 128, 128>}, {pipeline_mode = #tpu.pipeline_mode<synchronous>, transform_indices = @transform_6, window_bounds = array<i64: 1, 128>}, {pipeline_mode = #tpu.pipeline_mode<synchronous>, transform_indices = @transform_7, window_bounds = array<i64: 1, 128>}, {pipeline_mode = #tpu.pipeline_mode<synchronous>, transform_indices = @transform_8, window_bounds = array<i64: 1, 128>}, {pipeline_mode = #tpu.pipeline_mode<synchronous>, transform_indices = @transform_9, window_bounds = array<i64: 1, 128>}, {pipeline_mode = #tpu.pipeline_mode<synchronous>, transform_indices = @transform_10, window_bounds = array<i64: 1, 128>}, {pipeline_mode = #tpu.pipeline_mode<synchronous>, transform_indices = @transform_11, window_bounds = array<i64: 1, 128>}, {transform_indices = @transform_12, window_bounds = array<i64: 1000, 128>}, {transform_indices = @transform_13, window_bounds = array<i64: 1000, 128>}]} {
    %get3A = arith.constant 0 : index
    %get3A_0 = arith.constant 0 : index
    %get3A_1 = arith.constant 0 : index
    %get3A_2 = vector.load %arg1[%get3A, %get3A_0, %get3A_1] : memref<2x1000x128xf32, #tpu.memory_space<vmem>>, vector<2x1000x128xf32>
    %get3A_3 = arith.constant 0 : index
    %get3A_4 = arith.constant 0 : index
    %get3A_5 = vector.load %arg3[%get3A_3, %get3A_4] : memref<1000x1xf32, #tpu.memory_space<vmem>>, vector<1000x1xf32>
    %slice3A = vector.extract_strided_slice %get3A_2 {offsets = [0, 0, 0], sizes = [1, 1000, 128], strides = [1, 1, 1]} : vector<2x1000x128xf32> to vector<1x1000x128xf32>
    %squeeze3A = vector.shape_cast %slice3A : vector<1x1000x128xf32> to vector<1000x128xf32>
    %slice3A_6 = vector.extract_strided_slice %get3A_2 {offsets = [1, 0, 0], sizes = [1, 1000, 128], strides = [1, 1, 1]} : vector<2x1000x128xf32> to vector<1x1000x128xf32>
    %squeeze3A_7 = vector.shape_cast %slice3A_6 : vector<1x1000x128xf32> to vector<1000x128xf32>
    %add3A = arith.addf %squeeze3A, %squeeze3A_7 : vector<1000x128xf32>
    %get3A_8 = arith.constant 0 : index
    %get3A_9 = arith.constant 0 : index
    %get3A_10 = vector.load %arg2[%get3A_8, %get3A_9] : memref<1000x128xf32, #tpu.memory_space<vmem>>, vector<1000x128xf32>
    %add3A_11 = arith.addf %add3A, %get3A_10 : vector<1000x128xf32>
    %mul3A = vector.broadcast %get3A_5 : vector<1000x1xf32> to vector<1000x128xf32>
    %mul3A_12 = arith.mulf %add3A_11, %mul3A : vector<1000x128xf32>
    %get3A_13 = arith.constant 0 : index
    %get3A_14 = arith.constant 0 : index
    %get3A_15 = vector.load %arg7[%get3A_13, %get3A_14] : memref<1x128xf32, #tpu.memory_space<vmem>>, vector<1x128xf32>
    %add3A_16 = vector.broadcast %get3A_15 : vector<1x128xf32> to vector<1000x128xf32>
    %add3A_17 = arith.addf %mul3A_12, %add3A_16 : vector<1000x128xf32>
    %get3A_18 = arith.constant 0 : index
    %get3A_19 = arith.constant 0 : index
    %get3A_20 = vector.load %arg4[%get3A_18, %get3A_19] : memref<1000x128xf32, #tpu.memory_space<vmem>>, vector<1000x128xf32>
    %get3A_21 = arith.constant 0 : index
    %get3A_22 = arith.constant 0 : index
    %get3A_23 = vector.load %arg5[%get3A_21, %get3A_22] : memref<128x128xf32, #tpu.memory_space<vmem>>, vector<128x128xf32>
    %dot_general3A = arith.constant dense<0.000000e+00> : vector<1000x128xf32>
    %dot_general3A_24 = tpu.matmul %get3A_20, %get3A_23, %dot_general3A {dimension_numbers = #tpu.dot_dimension_numbers<[1], [0], [0], [1], [0, 0, 1, 1], [], []>, transpose_lhs_hint = false} : vector<1000x128xf32>, vector<128x128xf32>, vector<1000x128xf32> -> vector<1000x128xf32>
    %add3A_25 = arith.addf %add3A_17, %dot_general3A_24 : vector<1000x128xf32>
    %get3A_26 = arith.constant 0 : index
    %get3A_27 = arith.constant 0 : index
    %get3A_28 = vector.load %arg8[%get3A_26, %get3A_27] : memref<1x128xf32, #tpu.memory_space<vmem>>, vector<1x128xf32>
    %add3A_29 = vector.broadcast %get3A_28 : vector<1x128xf32> to vector<1000x128xf32>
    %add3A_30 = arith.addf %add3A_25, %add3A_29 : vector<1000x128xf32>
    %get3A_31 = arith.constant 0 : index
    %get3A_32 = arith.constant 0 : index
    %get3A_33 = vector.load %arg11[%get3A_31, %get3A_32] : memref<1x128xf32, #tpu.memory_space<vmem>>, vector<1x128xf32>
    %get3A_34 = arith.constant 0 : index
    %get3A_35 = arith.constant 0 : index
    %get3A_36 = vector.load %arg10[%get3A_34, %get3A_35] : memref<1x128xf32, #tpu.memory_space<vmem>>, vector<1x128xf32>
    %add3A_37 = arith.constant 9.99999974E-6 : f32
    %add3A_38 = vector.broadcast %add3A_37 : f32 to vector<1x128xf32>
    %add3A_39 = arith.addf %get3A_36, %add3A_38 : vector<1x128xf32>
    %rsqrt3A = math.rsqrt %add3A_39 : vector<1x128xf32>
    %mul3A_40 = arith.mulf %get3A_33, %rsqrt3A : vector<1x128xf32>
    %get3A_41 = arith.constant 0 : index
    %get3A_42 = arith.constant 0 : index
    %get3A_43 = vector.load %arg9[%get3A_41, %get3A_42] : memref<1x128xf32, #tpu.memory_space<vmem>>, vector<1x128xf32>
    %sub3A = vector.broadcast %get3A_43 : vector<1x128xf32> to vector<1000x128xf32>
    %sub3A_44 = arith.subf %add3A_30, %sub3A : vector<1000x128xf32>
    %mul3A_45 = vector.broadcast %mul3A_40 : vector<1x128xf32> to vector<1000x128xf32>
    %mul3A_46 = arith.mulf %sub3A_44, %mul3A_45 : vector<1000x128xf32>
    %get3A_47 = arith.constant 0 : index
    %get3A_48 = arith.constant 0 : index
    %get3A_49 = vector.load %arg12[%get3A_47, %get3A_48] : memref<1x128xf32, #tpu.memory_space<vmem>>, vector<1x128xf32>
    %add3A_50 = vector.broadcast %get3A_49 : vector<1x128xf32> to vector<1000x128xf32>
    %add3A_51 = arith.addf %mul3A_46, %add3A_50 : vector<1000x128xf32>
    %max3A = arith.constant 0.000000e+00 : f32
    %max3A_52 = vector.broadcast %max3A : f32 to vector<1000x128xf32>
    %max3A_53 = arith.maximumf %add3A_51, %max3A_52 : vector<1000x128xf32>
    %swap3A = arith.constant 0 : index
    %swap3A_54 = arith.constant 0 : index
    %swap3A_55 = vector.load %arg13[%swap3A, %swap3A_54] : memref<1000x128xf32, #tpu.memory_space<vmem>>, vector<1000x128xf32>
    tpu.vector_store %arg13[%swap3A, %swap3A_54], %max3A_53 {strides = array<i32>} : memref<1000x128xf32, #tpu.memory_space<vmem>>, vector<1000x128xf32>,
    %get3A_56 = arith.constant 0 : index
    %get3A_57 = arith.constant 0 : index
    %get3A_58 = vector.load %arg6[%get3A_56, %get3A_57] : memref<128x128xf32, #tpu.memory_space<vmem>>, vector<128x128xf32>
    %dot_general3A_59 = arith.constant dense<0.000000e+00> : vector<1000x128xf32>
    %dot_general3A_60 = tpu.matmul %max3A_53, %get3A_58, %dot_general3A_59 {dimension_numbers = #tpu.dot_dimension_numbers<[1], [0], [0], [1], [0, 0, 1, 1], [], []>, transpose_lhs_hint = false} : vector<1000x128xf32>, vector<128x128xf32>, vector<1000x128xf32> -> vector<1000x128xf32>
    %mul3A_61 = vector.broadcast %get3A_5 : vector<1000x1xf32> to vector<1000x128xf32>
    %mul3A_62 = arith.mulf %dot_general3A_60, %mul3A_61 : vector<1000x128xf32>
    %swap3A_63 = arith.constant 0 : index
    %swap3A_64 = arith.constant 0 : index
    %swap3A_65 = vector.load %arg14[%swap3A_63, %swap3A_64] : memref<1000x128xf32, #tpu.memory_space<vmem>>, vector<1000x128xf32>
    tpu.vector_store %arg14[%swap3A_63, %swap3A_64], %mul3A_62 {strides = array<i32>} : memref<1000x128xf32, #tpu.memory_space<vmem>>, vector<1000x128xf32>,
    return
  }
  func.func @transform_0(%arg0: i32) -> (i32, i32, i32) {
    %c0_i32 = arith.constant 0 : i32
    %c0_i32_0 = arith.constant 0 : i32
    %c0_i32_1 = arith.constant 0 : i32
    return %c0_i32, %arg0, %c0_i32_0 : i32, i32, i32
  }
  func.func @transform_1(%arg0: i32) -> (i32, i32) {
    %c0_i32 = arith.constant 0 : i32
    %c0_i32_0 = arith.constant 0 : i32
    return %arg0, %c0_i32 : i32, i32
  }
  func.func @transform_2(%arg0: i32) -> (i32, i32) {
    %c0_i32 = arith.constant 0 : i32
    %c0_i32_0 = arith.constant 0 : i32
    return %arg0, %c0_i32 : i32, i32
  }
  func.func @transform_3(%arg0: i32) -> (i32, i32) {
    %c0_i32 = arith.constant 0 : i32
    %c0_i32_0 = arith.constant 0 : i32
    return %arg0, %c0_i32 : i32, i32
  }
  func.func @transform_4(%arg0: i32) -> (i32, i32) {
    %c0_i32 = arith.constant 0 : i32
    %c0_i32_0 = arith.constant 0 : i32
    %c0_i32_1 = arith.constant 0 : i32
    return %c0_i32, %c0_i32_0 : i32, i32
  }
  func.func @transform_5(%arg0: i32) -> (i32, i32) {
    %c0_i32 = arith.constant 0 : i32
    %c0_i32_0 = arith.constant 0 : i32
    %c0_i32_1 = arith.constant 0 : i32
    return %c0_i32, %c0_i32_0 : i32, i32
  }
  func.func @transform_6(%arg0: i32) -> (i32, i32) {
    %c0_i32 = arith.constant 0 : i32
    %c0_i32_0 = arith.constant 0 : i32
    %c0_i32_1 = arith.constant 0 : i32
    return %c0_i32, %c0_i32_0 : i32, i32
  }
  func.func @transform_7(%arg0: i32) -> (i32, i32) {
    %c0_i32 = arith.constant 0 : i32
    %c0_i32_0 = arith.constant 0 : i32
    %c0_i32_1 = arith.constant 0 : i32
    return %c0_i32, %c0_i32_0 : i32, i32
  }
  func.func @transform_8(%arg0: i32) -> (i32, i32) {
    %c0_i32 = arith.constant 0 : i32
    %c0_i32_0 = arith.constant 0 : i32
    %c0_i32_1 = arith.constant 0 : i32
    return %c0_i32, %c0_i32_0 : i32, i32
  }
  func.func @transform_9(%arg0: i32) -> (i32, i32) {
    %c0_i32 = arith.constant 0 : i32
    %c0_i32_0 = arith.constant 0 : i32
    %c0_i32_1 = arith.constant 0 : i32
    return %c0_i32, %c0_i32_0 : i32, i32
  }
  func.func @transform_10(%arg0: i32) -> (i32, i32) {
    %c0_i32 = arith.constant 0 : i32
    %c0_i32_0 = arith.constant 0 : i32
    %c0_i32_1 = arith.constant 0 : i32
    return %c0_i32, %c0_i32_0 : i32, i32
  }
  func.func @transform_11(%arg0: i32) -> (i32, i32) {
    %c0_i32 = arith.constant 0 : i32
    %c0_i32_0 = arith.constant 0 : i32
    %c0_i32_1 = arith.constant 0 : i32
    return %c0_i32, %c0_i32_0 : i32, i32
  }
  func.func @transform_12(%arg0: i32) -> (i32, i32) {
    %c0_i32 = arith.constant 0 : i32
    %c0_i32_0 = arith.constant 0 : i32
    return %arg0, %c0_i32 : i32, i32
  }
  func.func @transform_13(%arg0: i32) -> (i32, i32) {
    %c0_i32 = arith.constant 0 : i32
    %c0_i32_0 = arith.constant 0 : i32
    return %arg0, %c0_i32 : i32, i32
  }
}

module attributes {stable_mosaic.version = 14 : i64} {
  func.func @_final_body(%arg0: i32, %arg1: memref<2x1000x128xf32, #tpu.memory_space<vmem>>, %arg2: memref<1000x128xf32, #tpu.memory_space<vmem>>, %arg3: memref<1000x1xf32, #tpu.memory_space<vmem>>, %arg4: memref<1000x128xf32, #tpu.memory_space<vmem>>, %arg5: memref<128x128xf32, #tpu.memory_space<vmem>>, %arg6: memref<128x64xf32, #tpu.memory_space<vmem>>, %arg7: memref<1x128xf32, #tpu.memory_space<vmem>>, %arg8: memref<1x128xf32, #tpu.memory_space<vmem>>, %arg9: memref<1x128xf32, #tpu.memory_space<vmem>>, %arg10: memref<1x128xf32, #tpu.memory_space<vmem>>, %arg11: memref<1x128xf32, #tpu.memory_space<vmem>>, %arg12: memref<1x128xf32, #tpu.memory_space<vmem>>, %arg13: memref<1x64xf32, #tpu.memory_space<vmem>>, %arg14: memref<1000x64xf32, #tpu.memory_space<vmem>>) attributes {dimension_semantics = [#tpu.dimension_semantics<arbitrary>], iteration_bounds = array<i64: 10>, scalar_prefetch = 0 : i64, scratch_operands = 0 : i64, tpu.core_type = #tpu.core_type<tc>, window_params = [{transform_indices = @transform_0, window_bounds = array<i64: 2, 1000, 128>}, {transform_indices = @transform_1, window_bounds = array<i64: 1000, 128>}, {transform_indices = @transform_2, window_bounds = array<i64: 1000, 1>}, {transform_indices = @transform_3, window_bounds = array<i64: 1000, 128>}, {pipeline_mode = #tpu.pipeline_mode<synchronous>, transform_indices = @transform_4, window_bounds = array<i64: 128, 128>}, {pipeline_mode = #tpu.pipeline_mode<synchronous>, transform_indices = @transform_5, window_bounds = array<i64: 128, 64>}, {pipeline_mode = #tpu.pipeline_mode<synchronous>, transform_indices = @transform_6, window_bounds = array<i64: 1, 128>}, {pipeline_mode = #tpu.pipeline_mode<synchronous>, transform_indices = @transform_7, window_bounds = array<i64: 1, 128>}, {pipeline_mode = #tpu.pipeline_mode<synchronous>, transform_indices = @transform_8, window_bounds = array<i64: 1, 128>}, {pipeline_mode = #tpu.pipeline_mode<synchronous>, transform_indices = @transform_9, window_bounds = array<i64: 1, 128>}, {pipeline_mode = #tpu.pipeline_mode<synchronous>, transform_indices = @transform_10, window_bounds = array<i64: 1, 128>}, {pipeline_mode = #tpu.pipeline_mode<synchronous>, transform_indices = @transform_11, window_bounds = array<i64: 1, 128>}, {pipeline_mode = #tpu.pipeline_mode<synchronous>, transform_indices = @transform_12, window_bounds = array<i64: 1, 64>}, {transform_indices = @transform_13, window_bounds = array<i64: 1000, 64>}]} {
    %get3A = arith.constant 0 : index
    %get3A_0 = arith.constant 0 : index
    %get3A_1 = arith.constant 0 : index
    %get3A_2 = vector.load %arg1[%get3A, %get3A_0, %get3A_1] : memref<2x1000x128xf32, #tpu.memory_space<vmem>>, vector<2x1000x128xf32>
    %get3A_3 = arith.constant 0 : index
    %get3A_4 = arith.constant 0 : index
    %get3A_5 = vector.load %arg3[%get3A_3, %get3A_4] : memref<1000x1xf32, #tpu.memory_space<vmem>>, vector<1000x1xf32>
    %slice3A = vector.extract_strided_slice %get3A_2 {offsets = [0, 0, 0], sizes = [1, 1000, 128], strides = [1, 1, 1]} : vector<2x1000x128xf32> to vector<1x1000x128xf32>
    %squeeze3A = vector.shape_cast %slice3A : vector<1x1000x128xf32> to vector<1000x128xf32>
    %slice3A_6 = vector.extract_strided_slice %get3A_2 {offsets = [1, 0, 0], sizes = [1, 1000, 128], strides = [1, 1, 1]} : vector<2x1000x128xf32> to vector<1x1000x128xf32>
    %squeeze3A_7 = vector.shape_cast %slice3A_6 : vector<1x1000x128xf32> to vector<1000x128xf32>
    %add3A = arith.addf %squeeze3A, %squeeze3A_7 : vector<1000x128xf32>
    %get3A_8 = arith.constant 0 : index
    %get3A_9 = arith.constant 0 : index
    %get3A_10 = vector.load %arg2[%get3A_8, %get3A_9] : memref<1000x128xf32, #tpu.memory_space<vmem>>, vector<1000x128xf32>
    %add3A_11 = arith.addf %add3A, %get3A_10 : vector<1000x128xf32>
    %mul3A = vector.broadcast %get3A_5 : vector<1000x1xf32> to vector<1000x128xf32>
    %mul3A_12 = arith.mulf %add3A_11, %mul3A : vector<1000x128xf32>
    %get3A_13 = arith.constant 0 : index
    %get3A_14 = arith.constant 0 : index
    %get3A_15 = vector.load %arg7[%get3A_13, %get3A_14] : memref<1x128xf32, #tpu.memory_space<vmem>>, vector<1x128xf32>
    %add3A_16 = vector.broadcast %get3A_15 : vector<1x128xf32> to vector<1000x128xf32>
    %add3A_17 = arith.addf %mul3A_12, %add3A_16 : vector<1000x128xf32>
    %get3A_18 = arith.constant 0 : index
    %get3A_19 = arith.constant 0 : index
    %get3A_20 = vector.load %arg4[%get3A_18, %get3A_19] : memref<1000x128xf32, #tpu.memory_space<vmem>>, vector<1000x128xf32>
    %get3A_21 = arith.constant 0 : index
    %get3A_22 = arith.constant 0 : index
    %get3A_23 = vector.load %arg5[%get3A_21, %get3A_22] : memref<128x128xf32, #tpu.memory_space<vmem>>, vector<128x128xf32>
    %dot_general3A = arith.constant dense<0.000000e+00> : vector<1000x128xf32>
    %dot_general3A_24 = tpu.matmul %get3A_20, %get3A_23, %dot_general3A {dimension_numbers = #tpu.dot_dimension_numbers<[1], [0], [0], [1], [0, 0, 1, 1], [], []>, transpose_lhs_hint = false} : vector<1000x128xf32>, vector<128x128xf32>, vector<1000x128xf32> -> vector<1000x128xf32>
    %add3A_25 = arith.addf %add3A_17, %dot_general3A_24 : vector<1000x128xf32>
    %get3A_26 = arith.constant 0 : index
    %get3A_27 = arith.constant 0 : index
    %get3A_28 = vector.load %arg8[%get3A_26, %get3A_27] : memref<1x128xf32, #tpu.memory_space<vmem>>, vector<1x128xf32>
    %add3A_29 = vector.broadcast %get3A_28 : vector<1x128xf32> to vector<1000x128xf32>
    %add3A_30 = arith.addf %add3A_25, %add3A_29 : vector<1000x128xf32>
    %get3A_31 = arith.constant 0 : index
    %get3A_32 = arith.constant 0 : index
    %get3A_33 = vector.load %arg11[%get3A_31, %get3A_32] : memref<1x128xf32, #tpu.memory_space<vmem>>, vector<1x128xf32>
    %get3A_34 = arith.constant 0 : index
    %get3A_35 = arith.constant 0 : index
    %get3A_36 = vector.load %arg10[%get3A_34, %get3A_35] : memref<1x128xf32, #tpu.memory_space<vmem>>, vector<1x128xf32>
    %add3A_37 = arith.constant 9.99999974E-6 : f32
    %add3A_38 = vector.broadcast %add3A_37 : f32 to vector<1x128xf32>
    %add3A_39 = arith.addf %get3A_36, %add3A_38 : vector<1x128xf32>
    %rsqrt3A = math.rsqrt %add3A_39 : vector<1x128xf32>
    %mul3A_40 = arith.mulf %get3A_33, %rsqrt3A : vector<1x128xf32>
    %get3A_41 = arith.constant 0 : index
    %get3A_42 = arith.constant 0 : index
    %get3A_43 = vector.load %arg9[%get3A_41, %get3A_42] : memref<1x128xf32, #tpu.memory_space<vmem>>, vector<1x128xf32>
    %sub3A = vector.broadcast %get3A_43 : vector<1x128xf32> to vector<1000x128xf32>
    %sub3A_44 = arith.subf %add3A_30, %sub3A : vector<1000x128xf32>
    %mul3A_45 = vector.broadcast %mul3A_40 : vector<1x128xf32> to vector<1000x128xf32>
    %mul3A_46 = arith.mulf %sub3A_44, %mul3A_45 : vector<1000x128xf32>
    %get3A_47 = arith.constant 0 : index
    %get3A_48 = arith.constant 0 : index
    %get3A_49 = vector.load %arg12[%get3A_47, %get3A_48] : memref<1x128xf32, #tpu.memory_space<vmem>>, vector<1x128xf32>
    %add3A_50 = vector.broadcast %get3A_49 : vector<1x128xf32> to vector<1000x128xf32>
    %add3A_51 = arith.addf %mul3A_46, %add3A_50 : vector<1000x128xf32>
    %max3A = arith.constant 0.000000e+00 : f32
    %max3A_52 = vector.broadcast %max3A : f32 to vector<1000x128xf32>
    %max3A_53 = arith.maximumf %add3A_51, %max3A_52 : vector<1000x128xf32>
    %get3A_54 = arith.constant 0 : index
    %get3A_55 = arith.constant 0 : index
    %get3A_56 = vector.load %arg6[%get3A_54, %get3A_55] : memref<128x64xf32, #tpu.memory_space<vmem>>, vector<128x64xf32>
    %dot_general3A_57 = arith.constant dense<0.000000e+00> : vector<1000x64xf32>
    %dot_general3A_58 = tpu.matmul %max3A_53, %get3A_56, %dot_general3A_57 {dimension_numbers = #tpu.dot_dimension_numbers<[1], [0], [0], [1], [0, 0, 1, 1], [], []>, transpose_lhs_hint = false} : vector<1000x128xf32>, vector<128x64xf32>, vector<1000x64xf32> -> vector<1000x64xf32>
    %get3A_59 = arith.constant 0 : index
    %get3A_60 = arith.constant 0 : index
    %get3A_61 = vector.load %arg13[%get3A_59, %get3A_60] : memref<1x64xf32, #tpu.memory_space<vmem>>, vector<1x64xf32>
    %add3A_62 = vector.broadcast %get3A_61 : vector<1x64xf32> to vector<1000x64xf32>
    %add3A_63 = arith.addf %dot_general3A_58, %add3A_62 : vector<1000x64xf32>
    %swap3A = arith.constant 0 : index
    %swap3A_64 = arith.constant 0 : index
    %swap3A_65 = vector.load %arg14[%swap3A, %swap3A_64] : memref<1000x64xf32, #tpu.memory_space<vmem>>, vector<1000x64xf32>
    tpu.vector_store %arg14[%swap3A, %swap3A_64], %add3A_63 {strides = array<i32>} : memref<1000x64xf32, #tpu.memory_space<vmem>>, vector<1000x64xf32>,
    return
  }
  func.func @transform_0(%arg0: i32) -> (i32, i32, i32) {
    %c0_i32 = arith.constant 0 : i32
    %c0_i32_0 = arith.constant 0 : i32
    %c0_i32_1 = arith.constant 0 : i32
    return %c0_i32, %arg0, %c0_i32_0 : i32, i32, i32
  }
  func.func @transform_1(%arg0: i32) -> (i32, i32) {
    %c0_i32 = arith.constant 0 : i32
    %c0_i32_0 = arith.constant 0 : i32
    return %arg0, %c0_i32 : i32, i32
  }
  func.func @transform_2(%arg0: i32) -> (i32, i32) {
    %c0_i32 = arith.constant 0 : i32
    %c0_i32_0 = arith.constant 0 : i32
    return %arg0, %c0_i32 : i32, i32
  }
  func.func @transform_3(%arg0: i32) -> (i32, i32) {
    %c0_i32 = arith.constant 0 : i32
    %c0_i32_0 = arith.constant 0 : i32
    return %arg0, %c0_i32 : i32, i32
  }
  func.func @transform_4(%arg0: i32) -> (i32, i32) {
    %c0_i32 = arith.constant 0 : i32
    %c0_i32_0 = arith.constant 0 : i32
    %c0_i32_1 = arith.constant 0 : i32
    return %c0_i32, %c0_i32_0 : i32, i32
  }
  func.func @transform_5(%arg0: i32) -> (i32, i32) {
    %c0_i32 = arith.constant 0 : i32
    %c0_i32_0 = arith.constant 0 : i32
    %c0_i32_1 = arith.constant 0 : i32
    return %c0_i32, %c0_i32_0 : i32, i32
  }
  func.func @transform_6(%arg0: i32) -> (i32, i32) {
    %c0_i32 = arith.constant 0 : i32
    %c0_i32_0 = arith.constant 0 : i32
    %c0_i32_1 = arith.constant 0 : i32
    return %c0_i32, %c0_i32_0 : i32, i32
  }
  func.func @transform_7(%arg0: i32) -> (i32, i32) {
    %c0_i32 = arith.constant 0 : i32
    %c0_i32_0 = arith.constant 0 : i32
    %c0_i32_1 = arith.constant 0 : i32
    return %c0_i32, %c0_i32_0 : i32, i32
  }
  func.func @transform_8(%arg0: i32) -> (i32, i32) {
    %c0_i32 = arith.constant 0 : i32
    %c0_i32_0 = arith.constant 0 : i32
    %c0_i32_1 = arith.constant 0 : i32
    return %c0_i32, %c0_i32_0 : i32, i32
  }
  func.func @transform_9(%arg0: i32) -> (i32, i32) {
    %c0_i32 = arith.constant 0 : i32
    %c0_i32_0 = arith.constant 0 : i32
    %c0_i32_1 = arith.constant 0 : i32
    return %c0_i32, %c0_i32_0 : i32, i32
  }
  func.func @transform_10(%arg0: i32) -> (i32, i32) {
    %c0_i32 = arith.constant 0 : i32
    %c0_i32_0 = arith.constant 0 : i32
    %c0_i32_1 = arith.constant 0 : i32
    return %c0_i32, %c0_i32_0 : i32, i32
  }
  func.func @transform_11(%arg0: i32) -> (i32, i32) {
    %c0_i32 = arith.constant 0 : i32
    %c0_i32_0 = arith.constant 0 : i32
    %c0_i32_1 = arith.constant 0 : i32
    return %c0_i32, %c0_i32_0 : i32, i32
  }
  func.func @transform_12(%arg0: i32) -> (i32, i32) {
    %c0_i32 = arith.constant 0 : i32
    %c0_i32_0 = arith.constant 0 : i32
    %c0_i32_1 = arith.constant 0 : i32
    return %c0_i32, %c0_i32_0 : i32, i32
  }
  func.func @transform_13(%arg0: i32) -> (i32, i32) {
    %c0_i32 = arith.constant 0 : i32
    %c0_i32_0 = arith.constant 0 : i32
    return %arg0, %c0_i32 : i32, i32
  }
}

</mosaic_0001>

<sc_bundles>
// kernel: kernel.10.cloned.1.call-start
scs
__scs_entry_jumppad:
0x0: {  	(pc) =	sbr.rel $0x88, $3  }
0x1: {  	(tag) =	ssettag $0x0;
	lr =	simm.s32 $0x1  }
0x2: {  	[smem:$0x3F95] =	sst lr;
	_ =	strace $0xD0000000  }
0x3: {  	_ = 	snop  }
0x4: {  	_ = 	snop  }
0x5: {  	_ = 	snop  }
0x6: {  	_ = 	snop  }
0x7: {  	_ = 	snop  }
__scs_overlays_trampoline_lowered:
0x8: {  	[smem:$0x3FA4] =	sst s0  }
0x9: {  	[smem:$0x3FA5] =	sst s1  }
0xa: {  	[smem:$0x3FA6] =	sst s2  }
0xb: {  	[smem:$0x3FA7] =	sst s3  }
0xc: {  	[smem:$0x3FA8] =	sst s4  }
0xd: {  	[smem:$0x3FA9] =	sst s5  }
0xe: {  	[smem:$0x3FAA] =	sst s6  }
0xf: {  	[smem:$0x3FAB] =	sst s7  }
0x10: {  	[smem:$0x3FAC] =	sst s8  }
0x11: {  	[smem:$0x3FAD] =	sst s9;
	s0 =	simm.s32 @!p0 $0x0  }
0x12: {  	s1 =	sld [smem:$0x3F93];
	s0 =	simm.s32 @p0 $0x1  }
0x13: {  	[smem:$0x3FAE] =	sst s0;
	s0 =	simm.s32 @!p1 $0x0  }
0x14: {  	s2 =	sld [smem:$0x3F92];
	s0 =	simm.s32 @p1 $0x1  }
0x15: {  	[smem:$0x3FAF] =	sst s0;
	s0 =	simm.s32 @!p2 $0x0  }
0x16: {  	s3 =	sld [smem:$0x3FDB];
	s0 =	simm.s32 @p2 $0x1  }
0x17: {  	s4 =	simm.s32 $0x1BF5;
	[smem:$0x3FB1] =	sst s0  }
0x18: {  	s0 =	sld [smem:$0x3F94];
	_ =	swait.ge [sflag:s4], $0x0  }
0x19: {  	s7 =	sld [smem:$0x3F95]  }
0x1a: {  	s8 =	sadd.s32 $0xFFFFE003, lr  }
0x1b: {  	s9 =	sadd.s32 $0xFFFFFEF7, lr;
	s5 =	simm.s32 $0xFFFFFFFF;
	p2 =	slt.u32 s8, $0xFFFFF086  }
0x1c: {  	p1 =	slt.u32 s9, $0xF7A;
	s5 =	simm.s32 @!p2 $0x0  }
0x1d: {  	s5 =	simm.s32 @p1 $0x1;
	p0 =	seq.s32 s7, s2  }
0x1e: {  	s7 =	smul.u32 @!p0 $0xF7A, s2;
	p2 =	seq.s32 @!p0 s5, $0x0  }
0x1f: {  	s9 =	smul.u32 $0xF7A, s1;
	s8 =	simm.s32 @!p0 $0x1BF5;
	p2 =	por !p2, p0  }
0x20: {  	[sflag:s8] =	ssyncset.s32 @!p0 $0xFFFFF086;
	s6 =	sadd.s32 @!p0 s3, s7;
	s7 =	simm.s32 @!p0 $0x108  }
0x21: {  	s3 =	sadd.s32 s3, s9;
	s6 =	sadd.s32 @!p0 $0x88, s6;
	s7 =	simm.s32 @p2 $0x1082  }
0x22: {  	[simem:s7], [sflag:s8] =	dma.local @!p0 [hbm:s6], $0xF7A  }
0x23: {  	s9 =	sor.u32 $0xD0000000, s2;
	s6 =	simm.s32 $0x108;
	_ =	swait.ge @!p0 [sflag:s8], $0x0  }
0x24: {  	s3 =	sadd.s32 $0x88, s3;
	s6 =	simm.s32 @!p1 $0x1082;
	[sflag:s4] =	ssyncset.s32 $0xFFFFF086  }
0x25: {  	[simem:s6], [sflag:s4] =	dma.local [hbm:s3], $0xF7A  }
0x26: {  	[smem:$0x3F95] =	sst s1;
	(tag) =	ssettag s2;
	_ =	strace s9  }
0x27: {  	s1 =	sld [smem:$0x3FA5]  }
0x28: {  	s2 =	sld [smem:$0x3FA6]  }
0x29: {  	s4 =	sld [smem:$0x3FA8]  }
0x2a: {  	p0 =	seq.s32 s5, $0x0;
	s5 =	sld [smem:$0x3FA9]  }
0x2b: {  	s6 =	sld [smem:$0x3FAA]  }
0x2c: {  	s7 =	sld [smem:$0x3FAB]  }
0x2d: {  	s3 =	simm.s32 $0x108;
	s8 =	sld [smem:$0x3FAC]  }
0x2e: {  	s3 =	simm.s32 @!p0 $0x1082;
	s9 =	sld [smem:$0x3FAD]  }
0x2f: {  	lr =	sadd.s32 s0, s3;
	s0 =	sld [smem:$0x3FA4]  }
0x30: {  	s3 =	sld [smem:$0x3FA7]  }
0x31: {  	[smem:$0x3FB0] =	sst s10  }
0x32: {  	s10 =	sld [smem:$0x3FAE];
	_ =	sdelay $0x3  }
0x33: {  	p0 =	seq.s32 s10, $0x1;
	s10 =	sld [smem:$0x3FB0];
	_ =	sdelay $0x3  }
0x34: {  	[smem:$0x3FB0] =	sst s10  }
0x35: {  	s10 =	sld [smem:$0x3FAF];
	_ =	sdelay $0x3  }
0x36: {  	p1 =	seq.s32 s10, $0x1;
	s10 =	sld [smem:$0x3FB0];
	_ =	sdelay $0x3  }
0x37: {  	[smem:$0x3FB0] =	sst s10  }
0x38: {  	s10 =	sld [smem:$0x3FB1]  }
0x39: {  	_ = 	snop;
	(pc) =	sbr.ind lr, $3  }
0x3a: {  	_ = 	snop  }
0x3b: {  	_ = 	snop  }
0x3c: {  	p2 =	seq.s32 s10, $0x1;
	s10 =	sld [smem:$0x3FB0]  }
0x3d: {  	_ =	shalt  }
0x3e: {  	_ =	shalt  }
0x3f: {  	_ =	shalt  }
0x40: {  	_ =	shalt  }
0x41: {  	_ =	shalt  }
0x42: {  	_ =	shalt  }
0x43: {  	_ =	shalt  }
0x44: {  	_ =	shalt  }
0x45: {  	_ =	shalt  }
0x46: {  	_ =	shalt  }
0x47: {  	_ =	shalt  }
0x48: {  	_ =	shalt  }
0x49: {  	_ =	shalt  }
0x4a: {  	_ =	shalt  }
0x4b: {  	_ =	shalt  }
0x4c: {  	_ =	shalt  }
0x4d: {  	_ =	shalt  }
0x4e: {  	_ =	shalt  }
0x4f: {  	_ =	shalt  }
0x50: {  	_ =	shalt  }
0x51: {  	_ =	shalt  }
0x52: {  	_ =	shalt  }
0x53: {  	_ =	shalt  }
0x54: {  	_ =	shalt  }
0x55: {  	_ =	shalt  }
0x56: {  	_ =	shalt  }
0x57: {  	_ =	shalt  }
0x58: {  	_ =	shalt  }
0x59: {  	_ =	shalt  }
0x5a: {  	_ =	shalt  }
0x5b: {  	_ =	shalt  }
0x5c: {  	_ =	shalt  }
0x5d: {  	_ =	shalt  }
0x5e: {  	_ =	shalt  }
0x5f: {  	_ =	shalt  }
0x60: {  	_ =	shalt  }
0x61: {  	_ =	shalt  }
0x62: {  	_ =	shalt  }
0x63: {  	_ =	shalt  }
0x64: {  	_ =	shalt  }
0x65: {  	_ =	shalt  }
0x66: {  	_ =	shalt  }
0x67: {  	_ =	shalt  }
0x68: {  	_ =	shalt  }
0x69: {  	_ =	shalt  }
0x6a: {  	_ =	shalt  }
0x6b: {  	_ =	shalt  }
0x6c: {  	_ =	shalt  }
0x6d: {  	_ =	shalt  }
0x6e: {  	_ =	shalt  }
0x6f: {  	_ =	shalt  }
0x70: {  	_ =	shalt  }
0x71: {  	_ =	shalt  }
0x72: {  	_ =	shalt  }
0x73: {  	_ =	shalt  }
0x74: {  	_ =	shalt  }
0x75: {  	_ =	shalt  }
0x76: {  	_ =	shalt  }
0x77: {  	_ =	shalt  }
0x78: {  	_ =	shalt  }
0x79: {  	_ =	shalt  }
0x7a: {  	_ =	shalt  }
0x7b: {  	_ =	shalt  }
0x7c: {  	_ =	shalt  }
0x7d: {  	_ =	shalt  }
0x7e: {  	_ =	shalt  }
0x7f: {  	_ =	shalt  }
0x80: {  	_ =	shalt  }
0x81: {  	_ =	shalt  }
0x82: {  	_ =	shalt  }
0x83: {  	_ =	shalt  }
0x84: {  	_ =	shalt  }
0x85: {  	_ =	shalt  }
0x86: {  	_ =	shalt  }
0x87: {  	_ =	shalt  }
.Lfunc_end0:
.L_simem_size_0:
called_computation_lowered:
.L_overlay_start_0:
0x88: {  	s2 =	sld [smem:$0x3FD9]  }
0x89: {  	s3 =	sld [smem:$0x3FFE];
	_ =	sdelay $0x1  }
0x8a: {  	s1 =	srdreg.scid  }
0x8b: {  	s0 =	sand.u32 $0x1, s1  }
0x8c: {  	s17 =	sshll.u32 s0, $0xA;
	s2 =	sadd.s32 s3, s2  }
0x8d: {  	s2 =	sadd.s32 s2, s17  }
0x8e: {  	[smem:$0x3FBC] =	sst s2  }
0x8f: {  	_ = 	snop  }
0x90: {  	s2 =	sld [smem:$0x3FD0];
	(tm) =	ssettm $0x1  }
0x91: {  	s18 =	sld [smem:$0x3FFB];
	_ =	sdelay $0x3  }
0x92: {  	_ =	strace s18  }
0x93: {  	s3 =	sld [smem:$0x3FFC];
	_ =	sdelay $0x3  }
0x94: {  	_ =	strace s3  }
0x95: {  	s3 =	sld [smem:$0x3FFD];
	_ =	sdelay $0x3  }
0x96: {  	_ =	strace s3  }
0x97: {  	_ =	strace $0x8FFFFFFF  }
0x98: {  	s19 =	sld [smem:$0x3FDB];
	_ =	sdelay $0x1  }
0x99: {  	s4 =	simm.s32 $_scs_section_size  }
0x9a: {  	s5 =	simm.s32 $_size__tile_overlayer_lowered;
	s6 =	simm.s32 $_tile_overlayer_lowered  }
0x9b: {  	s22 =	simm.s32 $0x1BFF;
	s21 =	sshll.u32 s6, $0x1;
	s3 =	sadd.s32 s4, s19  }
0x9c: {  	s7 =	simm.s32 $0x0;
	s20 =	sshll.u32 s5, $0x1;
	s5 =	sadd.s32 s21, s3  }
0x9d: {  	[timem:s7], [sflag:s22] =	dma.local [hbm:s5], s20  }
0x9e: {  	_ =	swait.ge [sflag:s22], s20  }
0x9f: {  	s4 =	ssub.s32 $0x0, s20;
	[sflag:s22] =	ssyncset.done $0x0  }
0xa0: {  	[sflag:s22] =	ssyncadd.s32 s4;
	_ =	sdelay $0x1  }
0xa1: {  	s23 =	simm.s32 $0x1B8B  }
0xa2: {  	_ =	swait.ge [sflag:s23], $0x1  }
0xa3: {  	[sflag:s23] =	ssyncset.done $0x0  }
0xa4: {  	s25 =	simm.s32 $0x1B8E;
	s24 =	sld [smem:$0x3FFE];
	[sflag:s23] =	ssyncadd.s32 $0xFFFFFFFF  }
0xa5: {  	s26 =	simm.s32 $execute0_lowered;
	[smem:$0x3FD2] =	sst s25  }
0xa6: {  	s5 =	sshll.u32 s26, $0x1;
	_ =	strace $0x80000046;
	[dreg:$0x1] =	wrdreg $0xFFFFFFFF  }
0xa7: {  	s28 =	simm.s32 $_size_execute0_lowered;
	s3 =	sadd.s32 s3, s5;
	[dreg:$0x0] =	wrdreg $0x0  }
0xa8: {  	s5 =	sshll.u32 s28, $0x1;
	[dreg:$0x2] =	wrdreg s3  }
0xa9: {  	[dreg:$0x3] =	wrdreg s5  }
0xaa: {  	[dreg:$0x4] =	wrdreg $0xC0  }
0xab: {  	_ =	task [dreg:s7], $0x5FFFF  }
0xac: {  	[dreg:$0x1] =	wrdreg $0xFFFFFFFF  }
0xad: {  	[dreg:$0x0] =	wrdreg $0x60  }
0xae: {  	[dreg:$0x2] =	wrdreg s2  }
0xaf: {  	[dreg:$0x3] =	wrdreg s24  }
0xb0: {  	[dreg:$0x4] =	wrdreg $0x40800  }
0xb1: {  	[dreg:$0x5] =	wrdreg $0x9  }
0xb2: {  	_ =	task.clear_ibuf [dreg:s7], $0x6FFFF;
	_ =	strace $0x90000046  }
0xb3: {  	s29 =	simm.s32 $0x9;
	_ =	strace $0x80000048  }
0xb4: {  	_ =	swait.ge [sflag:s29], $0x1  }
0xb5: {  	[sflag:s29] =	ssyncadd.s32 $0xFFFFFFFF  }
0xb6: {  	_ =	strace $0x90000048  }
0xb7: {  	_ =	sfence  }
0xb8: {  	s30 =	sld [smem:$0x0];
	_ =	sdelay $0x2  }
0xb9: {  	s31 =	sshll.u32 s1, $0xD;
	s1 =	sshrl.u32 s1, $0x2  }
0xba: {  	s3 =	sand.u32 $0x4000, s31;
	s1 =	sadd.s32 s1, s30  }
0xbb: {  	s0 =	sor.u32 s3, s0;
	s1 =	sshll.u32 s1, $0x11  }
0xbc: {  	s0 =	sor.u32 s1, s0  }
0xbd: {  	s0 =	sadd.s32 $0x8F2B, s0  }
0xbe: {  	[sflag:s0] =	ssyncadd.remote.s32 $0x1  }
0xbf: {  	_ =	sfence.sel $0xFFFF  }
0xc0: {  	[dreg:$0x0] =	wrdreg $0xFFFFFFFF;
	(pc) =	sbr.abs _section_cstart, $3  }
0xc1: {  	[dreg:$0x1] =	wrdreg $0xFFFFFFFF  }
0xc2: {  	_ =	task.clear_ibuf [dreg:s7], $0x2FFFF;
	_ =	strace $0x9FFFFFFF  }
0xc3: {  	(tm) =	ssettm $0x7FFFFFFF  }
tec
execute0_lowered:
.L_overlay_start_1:
0x0: {  	(tag) =	ssettag $0x1  }
0x1: {  	s8 =	rddreg [dreg:$0x0]  }
0x2: {  	s6 =	rddreg [dreg:$0x1]  }
0x3: {  	s0 =	srdreg.scid;
	s1 =	stileid.u32  }
0x4: {  	s2 =	rddreg [dreg:$0x2];
	s5 =	smul.u32 $0x13C00, s1  }
0x5: {  	s3 =	simm.s32 $0x0;
	s13 =	simm.s32 $0x0;
	s9 =	smul.u32 $0x4F000, s1  }
0x6: {  	s7 =	sand.u32 $0x1, s0;
	s0 =	rddreg [dreg:$0x3];
	s10 =	smul.u32 $0x9E00, s1  }
0x7: {  	[smem:$0x7FF] =	sst s3;
	s31 =	sshll.u32 s1, $0x6;
	s4 =	smul.u32 $0x13C000, s7  }
0x8: {  	_ =	strace $0x80000047;
	s12 =	smul.u32 $0x4F00, s7;
	s7 =	ssub.s32 $0x2, s7  }
0x9: {  	s28 =	sshrl.u32 s7, $0x1;
	s9 =	sshrl.u32 s9, $0x2;
	s5 =	sadd.s32 s5, s4  }
0xa: {  	s4 =	sadd.s32 $0x7A00, s6;
	s10 =	sadd.s32 s12, s10;
	s7 =	ssub.s32 s7, s28  }
0xb: {  	s29 =	sadd.s32 s9, s2;
	s9 =	simm.s32 $0x80;
	s11 =	sshrl.u32 s5, $0x3  }
0xc: {  	s5 =	sadd.s32 $0x5200, s6;
	s30 =	sshrl.u32 s10, $0x3;
	s7 =	smax.u32 s7, $0x1  }
0xd: {  	s10 =	simm.s32 $0x1;
	s12 =	sshrl.u32 s29, $0x3;
	s6 =	sadd.s32 s11, s6  }
0xe: {  	s8 =	sadd.s32 s30, s8;
	s11 =	sor.u32 $0x1C01, s31;
	s6 =	sadd.s32 $0x8200, s6  }
.LBB2_1:
0xf: {  	[tilespmem:s9], [sflag:$0x1] =	stream.linear.gather [hbm4b:s4+s3], $0x4000, $0x38;
	[tilespmem:$0x17C80] =	vst v63  }
0x10: {  	_ =	swait.ge [sflag:s10], $0x4000  }
0x11: {  	[sflag:s10] =	ssyncset.done $0x0  }
0x12: {  	[sflag:s10] =	ssyncadd.s32 $0xFFFFC000  }
0x13: {  	[spmem:s12], [sflag:s11] =	dma.local [hbm:s5], $0x2780  }
0x14: {  	_ =	swait.ge [sflag:s10], $0x2780  }
0x15: {  	[sflag:s10] =	ssyncset.done $0x0  }
0x16: {  	[sflag:s10] =	ssyncadd.s32 $0xFFFFD880  }
0x17: {  	s14 =	sadd.s32 $0x10, s8;
	[bflag:$0x0] =	sbarrier.arrive $0xFFFF  }
0x18: {  	[tilespmem:s3], [sflag:$0x1] =	stream.linear.gather [hbm4b:s14+s3], $0x80, $0x38;
	[tilespmem:$0x17C80] =	vst v63  }
0x19: {  	_ =	swait.ge [sflag:s10], $0x80  }
0x1a: {  	[sflag:s10] =	ssyncset.done $0x0  }
0x1b: {  	[sflag:s10] =	ssyncadd.s32 $0xFFFFFF80  }
0x1c: {  	[spmem:s2] =	stream.indirect.scatter.add.f32 [tilespmem:s9], [sflag:$0x1], $0x80, s3, s9, $0xb8;
	[tilespmem:$0x17C80] =	vst v63  }
0x1d: {  	_ =	swait.ge [sflag:s10], $0x4000  }
0x1e: {  	s15 =	simm.s32 $0x50;
	s14 =	simm.s32 $0x30;
	[sflag:s10] =	ssyncset.done $0x0  }
.LBB2_2:
0x1f: {  	s16 =	sadd.s32 s14, s8  }
0x20: {  	[sflag:s10] =	ssyncadd.s32 $0xFFFFC000;
	s14 =	smov.u32 s15;
	s17 =	sadd.s32 $0x20, s15  }
0x21: {  	[tilespmem:s3], [sflag:$0x1] =	stream.linear.gather [hbm4b:s16+s3], $0x80, $0x38;
	[tilespmem:$0x17C80] =	vst v63  }
0x22: {  	p0 =	sne.s32 s15, $0x9D0;
	_ =	swait.ge [sflag:s10], $0x80  }
.Ltmp0:
0x23: {  	[sflag:s10] =	ssyncset.done $0x0;
	(pc) =	sbr.rel @p0 .LBB2_2-.Ltmp0, $4  }
0x24: {  	[sflag:s10] =	ssyncadd.s32 $0xFFFFFF80  }
0x25: {  	[spmem:s2] =	stream.indirect.scatter.add.f32 [tilespmem:s9], [sflag:$0x1], $0x80, s3, s9, $0xb8;
	[tilespmem:$0x17C80] =	vst v63  }
0x26: {  	_ =	swait.ge [sflag:s10], $0x4000  }
0x27: {  	s15 =	smov.u32 s17;
	[sflag:s10] =	ssyncset.done $0x0  }
0x28: {  	s14 =	sadd.s32 s14, s8;
	[sflag:s10] =	ssyncadd.s32 $0xFFFFC000  }
0x29: {  	[tilespmem:s3], [sflag:$0x1] =	stream.linear.gather [hbm4b:s14+s3], $0x80, $0x38;
	[tilespmem:$0x17C80] =	vst v63  }
0x2a: {  	_ =	swait.ge [sflag:s10], $0x80  }
0x2b: {  	[sflag:s10] =	ssyncset.done $0x0  }
0x2c: {  	[sflag:s10] =	ssyncadd.s32 $0xFFFFFF80  }
0x2d: {  	[spmem:s2] =	stream.indirect.scatter.add.f32 [tilespmem:s9], [sflag:$0x1], $0x80, s3, s9, $0xb8;
	[tilespmem:$0x17C80] =	vst v63  }
0x2e: {  	_ =	swait.ge [sflag:s10], $0x4000  }
0x2f: {  	s13 =	sadd.s32 $0x1, s13;
	[sflag:s10] =	ssyncset.done $0x0  }
0x30: {  	p0 =	sne.s32 s13, s7;
	[sflag:s10] =	ssyncadd.s32 $0xFFFFC000  }
.Ltmp1:
0x31: {  	[bflag:$0x0] =	sbarrier.arrive $0xFFFF;
	(pc) =	sbr.rel @p0 .LBB2_1-.Ltmp1, $4  }
0x32: {  	[hbm:s6], [sflag:s11] =	dma.local [spmem:s12], $0x2780  }
0x33: {  	_ =	swait.ge [sflag:s10], $0x2780  }
0x34: {  	[sflag:s10] =	ssyncset.done $0x0  }
0x35: {  	[sflag:s10] =	ssyncadd.s32 $0xFFFFD880  }
0x36: {  	_ =	sfence.sel $0x180000  }
0x37: {  	[bflag:$0x0] =	sbarrier.arrive $0xFFFF  }
0x38: {  	p0 =	sne.s32 s1, $0x0;
	_ =	strace $0x90000047  }
0x39: {  	s0 =	sadd.s32 @!p0 $0x100000, s0;
	[bflag:$0x2] =	sbarrier.arrive $0xFFFF  }
0x3a: {  	[sflag:s0] =	ssyncadd.tile.s32 @!p0 $0x1;
	_ =	shalt  }
.Lfunc_end2:
_tile_overlayer_lowered:
.L_overlay_start_2:
0x3b: {  	(tag) =	ssettag $0x2  }
0x3c: {  	s0 =	rddreg [dreg:$0x0];
	s2 =	stileid.u32  }
0x3d: {  	s1 =	rddreg [dreg:$0x1];
	p0 =	sne.s32 s2, $0x0  }
0x3e: {  	s3 =	rddreg [dreg:$0x2];
	[bflag:$0x3] =	sbarrier.arrive $0xFFFF;
	s2 =	simm.s32 @!p0 $0x1C01  }
0x3f: {  	[timem:s3], [sflag:s2] =	dma.local @!p0 [hbm:s0], s1  }
0x40: {  	s0 =	simm.s32 @!p0 $0x1  }
0x41: {  	_ =	swait.ge @!p0 [sflag:s0], s1  }
0x42: {  	s1 =	ssub.s32 @!p0 $0x0, s1;
	[sflag:s0] =	ssyncset.done @!p0 $0x0  }
0x43: {  	[sflag:s0] =	ssyncadd.s32 @!p0 s1  }
0x44: {  	[bflag:$0x3] =	sbarrier.arrive $0xFFFF  }
0x45: {  	_ =	shalt  }

// kernel: kernel.13.cloned.1.call-start
scs
__scs_entry_jumppad:
0x0: {  	(pc) =	sbr.rel $0x88, $3  }
0x1: {  	(tag) =	ssettag $0x0;
	lr =	simm.s32 $0x1  }
0x2: {  	[smem:$0x3F95] =	sst lr;
	_ =	strace $0xD0000000  }
0x3: {  	_ = 	snop  }
0x4: {  	_ = 	snop  }
0x5: {  	_ = 	snop  }
0x6: {  	_ = 	snop  }
0x7: {  	_ = 	snop  }
__scs_overlays_trampoline_lowered:
0x8: {  	[smem:$0x3FA4] =	sst s0  }
0x9: {  	[smem:$0x3FA5] =	sst s1  }
0xa: {  	[smem:$0x3FA6] =	sst s2  }
0xb: {  	[smem:$0x3FA7] =	sst s3  }
0xc: {  	[smem:$0x3FA8] =	sst s4  }
0xd: {  	[smem:$0x3FA9] =	sst s5  }
0xe: {  	[smem:$0x3FAA] =	sst s6  }
0xf: {  	[smem:$0x3FAB] =	sst s7  }
0x10: {  	[smem:$0x3FAC] =	sst s8  }
0x11: {  	[smem:$0x3FAD] =	sst s9;
	s0 =	simm.s32 @!p0 $0x0  }
0x12: {  	s1 =	sld [smem:$0x3F93];
	s0 =	simm.s32 @p0 $0x1  }
0x13: {  	[smem:$0x3FAE] =	sst s0;
	s0 =	simm.s32 @!p1 $0x0  }
0x14: {  	s2 =	sld [smem:$0x3F92];
	s0 =	simm.s32 @p1 $0x1  }
0x15: {  	[smem:$0x3FAF] =	sst s0;
	s0 =	simm.s32 @!p2 $0x0  }
0x16: {  	s3 =	sld [smem:$0x3FDB];
	s0 =	simm.s32 @p2 $0x1  }
0x17: {  	s4 =	simm.s32 $0x1BF5;
	[smem:$0x3FB1] =	sst s0  }
0x18: {  	s0 =	sld [smem:$0x3F94];
	_ =	swait.ge [sflag:s4], $0x0  }
0x19: {  	s7 =	sld [smem:$0x3F95]  }
0x1a: {  	s8 =	sadd.s32 $0xFFFFE003, lr  }
0x1b: {  	s9 =	sadd.s32 $0xFFFFFEF7, lr;
	s5 =	simm.s32 $0xFFFFFFFF;
	p2 =	slt.u32 s8, $0xFFFFF086  }
0x1c: {  	p1 =	slt.u32 s9, $0xF7A;
	s5 =	simm.s32 @!p2 $0x0  }
0x1d: {  	s5 =	simm.s32 @p1 $0x1;
	p0 =	seq.s32 s7, s2  }
0x1e: {  	s7 =	smul.u32 @!p0 $0xF7A, s2;
	p2 =	seq.s32 @!p0 s5, $0x0  }
0x1f: {  	s9 =	smul.u32 $0xF7A, s1;
	s8 =	simm.s32 @!p0 $0x1BF5;
	p2 =	por !p2, p0  }
0x20: {  	[sflag:s8] =	ssyncset.s32 @!p0 $0xFFFFF086;
	s6 =	sadd.s32 @!p0 s3, s7;
	s7 =	simm.s32 @!p0 $0x108  }
0x21: {  	s3 =	sadd.s32 s3, s9;
	s6 =	sadd.s32 @!p0 $0x88, s6;
	s7 =	simm.s32 @p2 $0x1082  }
0x22: {  	[simem:s7], [sflag:s8] =	dma.local @!p0 [hbm:s6], $0xF7A  }
0x23: {  	s9 =	sor.u32 $0xD0000000, s2;
	s6 =	simm.s32 $0x108;
	_ =	swait.ge @!p0 [sflag:s8], $0x0  }
0x24: {  	s3 =	sadd.s32 $0x88, s3;
	s6 =	simm.s32 @!p1 $0x1082;
	[sflag:s4] =	ssyncset.s32 $0xFFFFF086  }
0x25: {  	[simem:s6], [sflag:s4] =	dma.local [hbm:s3], $0xF7A  }
0x26: {  	[smem:$0x3F95] =	sst s1;
	(tag) =	ssettag s2;
	_ =	strace s9  }
0x27: {  	s1 =	sld [smem:$0x3FA5]  }
0x28: {  	s2 =	sld [smem:$0x3FA6]  }
0x29: {  	s4 =	sld [smem:$0x3FA8]  }
0x2a: {  	p0 =	seq.s32 s5, $0x0;
	s5 =	sld [smem:$0x3FA9]  }
0x2b: {  	s6 =	sld [smem:$0x3FAA]  }
0x2c: {  	s7 =	sld [smem:$0x3FAB]  }
0x2d: {  	s3 =	simm.s32 $0x108;
	s8 =	sld [smem:$0x3FAC]  }
0x2e: {  	s3 =	simm.s32 @!p0 $0x1082;
	s9 =	sld [smem:$0x3FAD]  }
0x2f: {  	lr =	sadd.s32 s0, s3;
	s0 =	sld [smem:$0x3FA4]  }
0x30: {  	s3 =	sld [smem:$0x3FA7]  }
0x31: {  	[smem:$0x3FB0] =	sst s10  }
0x32: {  	s10 =	sld [smem:$0x3FAE];
	_ =	sdelay $0x3  }
0x33: {  	p0 =	seq.s32 s10, $0x1;
	s10 =	sld [smem:$0x3FB0];
	_ =	sdelay $0x3  }
0x34: {  	[smem:$0x3FB0] =	sst s10  }
0x35: {  	s10 =	sld [smem:$0x3FAF];
	_ =	sdelay $0x3  }
0x36: {  	p1 =	seq.s32 s10, $0x1;
	s10 =	sld [smem:$0x3FB0];
	_ =	sdelay $0x3  }
0x37: {  	[smem:$0x3FB0] =	sst s10  }
0x38: {  	s10 =	sld [smem:$0x3FB1]  }
0x39: {  	_ = 	snop;
	(pc) =	sbr.ind lr, $3  }
0x3a: {  	_ = 	snop  }
0x3b: {  	_ = 	snop  }
0x3c: {  	p2 =	seq.s32 s10, $0x1;
	s10 =	sld [smem:$0x3FB0]  }
0x3d: {  	_ =	shalt  }
0x3e: {  	_ =	shalt  }
0x3f: {  	_ =	shalt  }
0x40: {  	_ =	shalt  }
0x41: {  	_ =	shalt  }
0x42: {  	_ =	shalt  }
0x43: {  	_ =	shalt  }
0x44: {  	_ =	shalt  }
0x45: {  	_ =	shalt  }
0x46: {  	_ =	shalt  }
0x47: {  	_ =	shalt  }
0x48: {  	_ =	shalt  }
0x49: {  	_ =	shalt  }
0x4a: {  	_ =	shalt  }
0x4b: {  	_ =	shalt  }
0x4c: {  	_ =	shalt  }
0x4d: {  	_ =	shalt  }
0x4e: {  	_ =	shalt  }
0x4f: {  	_ =	shalt  }
0x50: {  	_ =	shalt  }
0x51: {  	_ =	shalt  }
0x52: {  	_ =	shalt  }
0x53: {  	_ =	shalt  }
0x54: {  	_ =	shalt  }
0x55: {  	_ =	shalt  }
0x56: {  	_ =	shalt  }
0x57: {  	_ =	shalt  }
0x58: {  	_ =	shalt  }
0x59: {  	_ =	shalt  }
0x5a: {  	_ =	shalt  }
0x5b: {  	_ =	shalt  }
0x5c: {  	_ =	shalt  }
0x5d: {  	_ =	shalt  }
0x5e: {  	_ =	shalt  }
0x5f: {  	_ =	shalt  }
0x60: {  	_ =	shalt  }
0x61: {  	_ =	shalt  }
0x62: {  	_ =	shalt  }
0x63: {  	_ =	shalt  }
0x64: {  	_ =	shalt  }
0x65: {  	_ =	shalt  }
0x66: {  	_ =	shalt  }
0x67: {  	_ =	shalt  }
0x68: {  	_ =	shalt  }
0x69: {  	_ =	shalt  }
0x6a: {  	_ =	shalt  }
0x6b: {  	_ =	shalt  }
0x6c: {  	_ =	shalt  }
0x6d: {  	_ =	shalt  }
0x6e: {  	_ =	shalt  }
0x6f: {  	_ =	shalt  }
0x70: {  	_ =	shalt  }
0x71: {  	_ =	shalt  }
0x72: {  	_ =	shalt  }
0x73: {  	_ =	shalt  }
0x74: {  	_ =	shalt  }
0x75: {  	_ =	shalt  }
0x76: {  	_ =	shalt  }
0x77: {  	_ =	shalt  }
0x78: {  	_ =	shalt  }
0x79: {  	_ =	shalt  }
0x7a: {  	_ =	shalt  }
0x7b: {  	_ =	shalt  }
0x7c: {  	_ =	shalt  }
0x7d: {  	_ =	shalt  }
0x7e: {  	_ =	shalt  }
0x7f: {  	_ =	shalt  }
0x80: {  	_ =	shalt  }
0x81: {  	_ =	shalt  }
0x82: {  	_ =	shalt  }
0x83: {  	_ =	shalt  }
0x84: {  	_ =	shalt  }
0x85: {  	_ =	shalt  }
0x86: {  	_ =	shalt  }
0x87: {  	_ =	shalt  }
.Lfunc_end0:
.L_simem_size_0:
called_computation.1_lowered:
.L_overlay_start_0:
0x88: {  	s2 =	sld [smem:$0x3FD9]  }
0x89: {  	s3 =	sld [smem:$0x3FFE];
	_ =	sdelay $0x1  }
0x8a: {  	s1 =	srdreg.scid  }
0x8b: {  	s0 =	sand.u32 $0x1, s1  }
0x8c: {  	s17 =	sshll.u32 s0, $0xA;
	s2 =	sadd.s32 s3, s2  }
0x8d: {  	s2 =	sadd.s32 s2, s17  }
0x8e: {  	[smem:$0x3FBC] =	sst s2  }
0x8f: {  	_ = 	snop  }
0x90: {  	s2 =	sld [smem:$0x3FD0];
	(tm) =	ssettm $0x1  }
0x91: {  	s18 =	sld [smem:$0x3FFB];
	_ =	sdelay $0x3  }
0x92: {  	_ =	strace s18  }
0x93: {  	s3 =	sld [smem:$0x3FFC];
	_ =	sdelay $0x3  }
0x94: {  	_ =	strace s3  }
0x95: {  	s3 =	sld [smem:$0x3FFD];
	_ =	sdelay $0x3  }
0x96: {  	_ =	strace s3  }
0x97: {  	_ =	strace $0x8FFFFFFF  }
0x98: {  	s19 =	sld [smem:$0x3FDB];
	_ =	sdelay $0x1  }
0x99: {  	s4 =	simm.s32 $_scs_section_size  }
0x9a: {  	s5 =	simm.s32 $_size__tile_overlayer_lowered;
	s6 =	simm.s32 $_tile_overlayer_lowered  }
0x9b: {  	s22 =	simm.s32 $0x1BFF;
	s21 =	sshll.u32 s6, $0x1;
	s3 =	sadd.s32 s4, s19  }
0x9c: {  	s7 =	simm.s32 $0x0;
	s20 =	sshll.u32 s5, $0x1;
	s5 =	sadd.s32 s21, s3  }
0x9d: {  	[timem:s7], [sflag:s22] =	dma.local [hbm:s5], s20  }
0x9e: {  	_ =	swait.ge [sflag:s22], s20  }
0x9f: {  	s4 =	ssub.s32 $0x0, s20;
	[sflag:s22] =	ssyncset.done $0x0  }
0xa0: {  	[sflag:s22] =	ssyncadd.s32 s4;
	_ =	sdelay $0x1  }
0xa1: {  	s23 =	simm.s32 $0x1B8B  }
0xa2: {  	_ =	swait.ge [sflag:s23], $0x1  }
0xa3: {  	[sflag:s23] =	ssyncset.done $0x0  }
0xa4: {  	s25 =	simm.s32 $0x1B8E;
	s24 =	sld [smem:$0x3FFE];
	[sflag:s23] =	ssyncadd.s32 $0xFFFFFFFF  }
0xa5: {  	s26 =	simm.s32 $execute0_lowered;
	[smem:$0x3FD2] =	sst s25  }
0xa6: {  	s5 =	sshll.u32 s26, $0x1;
	_ =	strace $0x80000049;
	[dreg:$0x1] =	wrdreg $0xFFFFFFFF  }
0xa7: {  	s28 =	simm.s32 $_size_execute0_lowered;
	s3 =	sadd.s32 s3, s5;
	[dreg:$0x0] =	wrdreg $0x0  }
0xa8: {  	s5 =	sshll.u32 s28, $0x1;
	[dreg:$0x2] =	wrdreg s3  }
0xa9: {  	[dreg:$0x3] =	wrdreg s5  }
0xaa: {  	[dreg:$0x4] =	wrdreg $0xC0  }
0xab: {  	_ =	task [dreg:s7], $0x5FFFF  }
0xac: {  	[dreg:$0x1] =	wrdreg $0xFFFFFFFF  }
0xad: {  	[dreg:$0x0] =	wrdreg $0x60  }
0xae: {  	[dreg:$0x2] =	wrdreg s24  }
0xaf: {  	[dreg:$0x3] =	wrdreg s2  }
0xb0: {  	[dreg:$0x4] =	wrdreg $0x41000  }
0xb1: {  	[dreg:$0x5] =	wrdreg $0x9  }
0xb2: {  	_ =	task.clear_ibuf [dreg:s7], $0x6FFFF;
	_ =	strace $0x90000049  }
0xb3: {  	s29 =	simm.s32 $0x9;
	_ =	strace $0x8000004B  }
0xb4: {  	_ =	swait.ge [sflag:s29], $0x1  }
0xb5: {  	[sflag:s29] =	ssyncadd.s32 $0xFFFFFFFF  }
0xb6: {  	_ =	strace $0x9000004B  }
0xb7: {  	_ =	sfence  }
0xb8: {  	s30 =	sld [smem:$0x0];
	_ =	sdelay $0x2  }
0xb9: {  	s31 =	sshll.u32 s1, $0xD;
	s1 =	sshrl.u32 s1, $0x2  }
0xba: {  	s3 =	sand.u32 $0x4000, s31;
	s1 =	sadd.s32 s1, s30  }
0xbb: {  	s0 =	sor.u32 s3, s0;
	s1 =	sshll.u32 s1, $0x11  }
0xbc: {  	s0 =	sor.u32 s1, s0  }
0xbd: {  	s0 =	sadd.s32 $0x8F2B, s0  }
0xbe: {  	[sflag:s0] =	ssyncadd.remote.s32 $0x1  }
0xbf: {  	_ =	sfence.sel $0xFFFF  }
0xc0: {  	[dreg:$0x0] =	wrdreg $0xFFFFFFFF;
	(pc) =	sbr.abs _section_cstart, $3  }
0xc1: {  	[dreg:$0x1] =	wrdreg $0xFFFFFFFF  }
0xc2: {  	_ =	task.clear_ibuf [dreg:s7], $0x2FFFF;
	_ =	strace $0x9FFFFFFF  }
0xc3: {  	(tm) =	ssettm $0x7FFFFFFF  }
tec
execute0_lowered:
.L_overlay_start_1:
0x0: {  	(tag) =	ssettag $0x1  }
0x1: {  	s6 =	rddreg [dreg:$0x0]  }
0x2: {  	s9 =	rddreg [dreg:$0x1]  }
0x3: {  	s1 =	rddreg [dreg:$0x2];
	s2 =	srdreg.scid  }
0x4: {  	s0 =	rddreg [dreg:$0x3];
	s5 =	sand.u32 $0x1, s2  }
0x5: {  	s2 =	stileid.u32;
	s7 =	smul.u32 $0x13C000, s5  }
0x6: {  	s3 =	simm.s32 $0x0;
	s14 =	simm.s32 $0x1;
	s8 =	smul.u32 $0x13C00, s2  }
0x7: {  	s15 =	simm.s32 $0x0;
	[smem:$0x7FF] =	sst s3;
	s10 =	smul.u32 $0x4F000, s2  }
0x8: {  	s4 =	sadd.s32 $0x7A00, s6;
	_ =	strace $0x8000004A;
	s11 =	smul.u32 $0x9E00, s2  }
0x9: {  	s26 =	ssub.s32 $0x2, s5;
	s13 =	smul.u32 $0x4F00, s5;
	s5 =	sadd.s32 $0x5200, s6  }
0xa: {  	s29 =	sshll.u32 s2, $0x6;
	s12 =	sshrl.u32 s26, $0x1;
	s7 =	sadd.s32 s8, s7  }
0xb: {  	s8 =	ssub.s32 s26, s12;
	s28 =	sshrl.u32 s10, $0x2;
	s11 =	sadd.s32 s13, s11  }
0xc: {  	s12 =	simm.s32 $0x80;
	s13 =	simm.s32 $0x100;
	s7 =	sshrl.u32 s7, $0x3  }
0xd: {  	s30 =	sadd.s32 s28, s1;
	s31 =	sshrl.u32 s11, $0x3;
	s8 =	smax.u32 s8, $0x1  }
0xe: {  	s11 =	simm.s32 $0x2;
	s7 =	sadd.s32 s7, s6;
	s6 =	sor.u32 $0x1C02, s29  }
0xf: {  	s9 =	sadd.s32 s31, s9;
	s10 =	sshrl.u32 s30, $0x3;
	s7 =	sadd.s32 $0x2EC00, s7  }
.LBB2_1:
0x10: {  	[spmem:s10], [sflag:s6] =	dma.local [hbm:s5], $0x2780  }
0x11: {  	_ =	swait.ge [sflag:s11], $0x2780  }
0x12: {  	[sflag:s11] =	ssyncset.done $0x0  }
0x13: {  	[sflag:s11] =	ssyncadd.s32 $0xFFFFD880  }
0x14: {  	s16 =	sadd.s32 $0x0, s9;
	[bflag:$0x0] =	sbarrier.arrive $0xFFFF  }
0x15: {  	[tilespmem:s3], [sflag:$0x2] =	stream.linear.gather [hbm4b:s16+s3], $0x100, $0x38;
	[tilespmem:$0x17D00] =	vst v63  }
0x16: {  	_ =	swait.ge [sflag:s11], $0x100  }
0x17: {  	[sflag:s11] =	ssyncset.done $0x0  }
0x18: {  	[sflag:s11] =	ssyncadd.s32 $0xFFFFFF00  }
0x19: {  	[tilespmem:s13], [sflag:$0x1] =	stream.indirect.gather [hbm4b:s4+s12], $0x80, s3, s12, $0xb8;
	[tilespmem:$0x17D00] =	vst v63  }
0x1a: {  	_ =	swait.ge [sflag:s14], $0x4000  }
0x1b: {  	[sflag:s14] =	ssyncset.done $0x0  }
0x1c: {  	[sflag:s14] =	ssyncadd.s32 $0xFFFFC000  }
0x1d: {  	[spmem:s1] =	stream.indirect.scatter.add.f32 [tilespmem:s13], [sflag:$0x2], $0x80, s12, s12, $0xb8;
	[tilespmem:$0x17D00] =	vst v63  }
0x1e: {  	_ =	swait.ge [sflag:s11], $0x4000  }
0x1f: {  	s17 =	simm.s32 $0x40;
	s16 =	simm.s32 $0x20;
	[sflag:s11] =	ssyncset.done $0x0  }
.LBB2_2:
0x20: {  	s18 =	sadd.s32 s16, s9  }
0x21: {  	[sflag:s11] =	ssyncadd.s32 $0xFFFFC000;
	s16 =	smov.u32 s17;
	s19 =	sadd.s32 $0x20, s17  }
0x22: {  	[tilespmem:s3], [sflag:$0x2] =	stream.linear.gather [hbm4b:s18+s3], $0x100, $0x38;
	[tilespmem:$0x17D00] =	vst v63  }
0x23: {  	p0 =	sne.s32 s17, $0x9C0;
	_ =	swait.ge [sflag:s11], $0x100  }
0x24: {  	[sflag:s11] =	ssyncset.done $0x0  }
0x25: {  	[sflag:s11] =	ssyncadd.s32 $0xFFFFFF00  }
0x26: {  	[tilespmem:s13], [sflag:$0x1] =	stream.indirect.gather [hbm4b:s4+s12], $0x80, s3, s12, $0xb8;
	[tilespmem:$0x17D00] =	vst v63  }
0x27: {  	_ =	swait.ge [sflag:s14], $0x4000  }
.Ltmp0:
0x28: {  	[sflag:s14] =	ssyncset.done $0x0;
	(pc) =	sbr.rel @p0 .LBB2_2-.Ltmp0, $4  }
0x29: {  	[sflag:s14] =	ssyncadd.s32 $0xFFFFC000  }
0x2a: {  	[spmem:s1] =	stream.indirect.scatter.add.f32 [tilespmem:s13], [sflag:$0x2], $0x80, s12, s12, $0xb8;
	[tilespmem:$0x17D00] =	vst v63  }
0x2b: {  	_ =	swait.ge [sflag:s11], $0x4000  }
0x2c: {  	s17 =	smov.u32 s19;
	[sflag:s11] =	ssyncset.done $0x0  }
0x2d: {  	s16 =	sadd.s32 s16, s9;
	[sflag:s11] =	ssyncadd.s32 $0xFFFFC000  }
0x2e: {  	[tilespmem:s3], [sflag:$0x2] =	stream.linear.gather [hbm4b:s16+s3], $0x100, $0x38;
	[tilespmem:$0x17D00] =	vst v63  }
0x2f: {  	_ =	swait.ge [sflag:s11], $0x100  }
0x30: {  	[sflag:s11] =	ssyncset.done $0x0  }
0x31: {  	[sflag:s11] =	ssyncadd.s32 $0xFFFFFF00  }
0x32: {  	[tilespmem:s13], [sflag:$0x1] =	stream.indirect.gather [hbm4b:s4+s12], $0x80, s3, s12, $0xb8;
	[tilespmem:$0x17D00] =	vst v63  }
0x33: {  	_ =	swait.ge [sflag:s14], $0x4000  }
0x34: {  	[sflag:s14] =	ssyncset.done $0x0  }
0x35: {  	[sflag:s14] =	ssyncadd.s32 $0xFFFFC000  }
0x36: {  	[spmem:s1] =	stream.indirect.scatter.add.f32 [tilespmem:s13], [sflag:$0x2], $0x80, s12, s12, $0xb8;
	[tilespmem:$0x17D00] =	vst v63  }
0x37: {  	_ =	swait.ge [sflag:s11], $0x4000  }
0x38: {  	s15 =	sadd.s32 $0x1, s15;
	[sflag:s11] =	ssyncset.done $0x0  }
0x39: {  	p0 =	sne.s32 s15, s8;
	[sflag:s11] =	ssyncadd.s32 $0xFFFFC000  }
.Ltmp1:
0x3a: {  	[bflag:$0x0] =	sbarrier.arrive $0xFFFF;
	(pc) =	sbr.rel @p0 .LBB2_1-.Ltmp1, $4  }
0x3b: {  	[hbm:s7], [sflag:s6] =	dma.local [spmem:s10], $0x2780  }
0x3c: {  	_ =	swait.ge [sflag:s11], $0x2780  }
0x3d: {  	[sflag:s11] =	ssyncset.done $0x0  }
0x3e: {  	[sflag:s11] =	ssyncadd.s32 $0xFFFFD880  }
0x3f: {  	_ =	sfence.sel $0x180000  }
0x40: {  	[bflag:$0x0] =	sbarrier.arrive $0xFFFF  }
0x41: {  	p0 =	sne.s32 s2, $0x0;
	_ =	strace $0x9000004A  }
0x42: {  	s0 =	sadd.s32 @!p0 $0x100000, s0;
	[bflag:$0x2] =	sbarrier.arrive $0xFFFF  }
0x43: {  	[sflag:s0] =	ssyncadd.tile.s32 @!p0 $0x1;
	_ =	shalt  }
.Lfunc_end2:
_tile_overlayer_lowered:
.L_overlay_start_2:
0x44: {  	(tag) =	ssettag $0x2  }
0x45: {  	s0 =	rddreg [dreg:$0x0];
	s2 =	stileid.u32  }
0x46: {  	s1 =	rddreg [dreg:$0x1];
	p0 =	sne.s32 s2, $0x0  }
0x47: {  	s3 =	rddreg [dreg:$0x2];
	[bflag:$0x3] =	sbarrier.arrive $0xFFFF;
	s2 =	simm.s32 @!p0 $0x1C02  }
0x48: {  	[timem:s3], [sflag:s2] =	dma.local @!p0 [hbm:s0], s1  }
0x49: {  	s0 =	simm.s32 @!p0 $0x2  }
0x4a: {  	_ =	swait.ge @!p0 [sflag:s0], s1  }
0x4b: {  	s1 =	ssub.s32 @!p0 $0x0, s1;
	[sflag:s0] =	ssyncset.done @!p0 $0x0  }
0x4c: {  	[sflag:s0] =	ssyncadd.s32 @!p0 s1  }
0x4d: {  	[bflag:$0x3] =	sbarrier.arrive $0xFFFF  }
0x4e: {  	_ =	shalt  }

// kernel: kernel.16.cloned.1.call-start
scs
__scs_entry_jumppad:
0x0: {  	(pc) =	sbr.rel $0x88, $3  }
0x1: {  	(tag) =	ssettag $0x0;
	lr =	simm.s32 $0x1  }
0x2: {  	[smem:$0x3F95] =	sst lr;
	_ =	strace $0xD0000000  }
0x3: {  	_ = 	snop  }
0x4: {  	_ = 	snop  }
0x5: {  	_ = 	snop  }
0x6: {  	_ = 	snop  }
0x7: {  	_ = 	snop  }
__scs_overlays_trampoline_lowered:
0x8: {  	[smem:$0x3FA4] =	sst s0  }
0x9: {  	[smem:$0x3FA5] =	sst s1  }
0xa: {  	[smem:$0x3FA6] =	sst s2  }
0xb: {  	[smem:$0x3FA7] =	sst s3  }
0xc: {  	[smem:$0x3FA8] =	sst s4  }
0xd: {  	[smem:$0x3FA9] =	sst s5  }
0xe: {  	[smem:$0x3FAA] =	sst s6  }
0xf: {  	[smem:$0x3FAB] =	sst s7  }
0x10: {  	[smem:$0x3FAC] =	sst s8  }
0x11: {  	[smem:$0x3FAD] =	sst s9;
	s0 =	simm.s32 @!p0 $0x0  }
0x12: {  	s1 =	sld [smem:$0x3F93];
	s0 =	simm.s32 @p0 $0x1  }
0x13: {  	[smem:$0x3FAE] =	sst s0;
	s0 =	simm.s32 @!p1 $0x0  }
0x14: {  	s2 =	sld [smem:$0x3F92];
	s0 =	simm.s32 @p1 $0x1  }
0x15: {  	[smem:$0x3FAF] =	sst s0;
	s0 =	simm.s32 @!p2 $0x0  }
0x16: {  	s3 =	sld [smem:$0x3FDB];
	s0 =	simm.s32 @p2 $0x1  }
0x17: {  	s4 =	simm.s32 $0x1BF5;
	[smem:$0x3FB1] =	sst s0  }
0x18: {  	s0 =	sld [smem:$0x3F94];
	_ =	swait.ge [sflag:s4], $0x0  }
0x19: {  	s7 =	sld [smem:$0x3F95]  }
0x1a: {  	s8 =	sadd.s32 $0xFFFFE003, lr  }
0x1b: {  	s9 =	sadd.s32 $0xFFFFFEF7, lr;
	s5 =	simm.s32 $0xFFFFFFFF;
	p2 =	slt.u32 s8, $0xFFFFF086  }
0x1c: {  	p1 =	slt.u32 s9, $0xF7A;
	s5 =	simm.s32 @!p2 $0x0  }
0x1d: {  	s5 =	simm.s32 @p1 $0x1;
	p0 =	seq.s32 s7, s2  }
0x1e: {  	s7 =	smul.u32 @!p0 $0xF7A, s2;
	p2 =	seq.s32 @!p0 s5, $0x0  }
0x1f: {  	s9 =	smul.u32 $0xF7A, s1;
	s8 =	simm.s32 @!p0 $0x1BF5;
	p2 =	por !p2, p0  }
0x20: {  	[sflag:s8] =	ssyncset.s32 @!p0 $0xFFFFF086;
	s6 =	sadd.s32 @!p0 s3, s7;
	s7 =	simm.s32 @!p0 $0x108  }
0x21: {  	s3 =	sadd.s32 s3, s9;
	s6 =	sadd.s32 @!p0 $0x88, s6;
	s7 =	simm.s32 @p2 $0x1082  }
0x22: {  	[simem:s7], [sflag:s8] =	dma.local @!p0 [hbm:s6], $0xF7A  }
0x23: {  	s9 =	sor.u32 $0xD0000000, s2;
	s6 =	simm.s32 $0x108;
	_ =	swait.ge @!p0 [sflag:s8], $0x0  }
0x24: {  	s3 =	sadd.s32 $0x88, s3;
	s6 =	simm.s32 @!p1 $0x1082;
	[sflag:s4] =	ssyncset.s32 $0xFFFFF086  }
0x25: {  	[simem:s6], [sflag:s4] =	dma.local [hbm:s3], $0xF7A  }
0x26: {  	[smem:$0x3F95] =	sst s1;
	(tag) =	ssettag s2;
	_ =	strace s9  }
0x27: {  	s1 =	sld [smem:$0x3FA5]  }
0x28: {  	s2 =	sld [smem:$0x3FA6]  }
0x29: {  	s4 =	sld [smem:$0x3FA8]  }
0x2a: {  	p0 =	seq.s32 s5, $0x0;
	s5 =	sld [smem:$0x3FA9]  }
0x2b: {  	s6 =	sld [smem:$0x3FAA]  }
0x2c: {  	s7 =	sld [smem:$0x3FAB]  }
0x2d: {  	s3 =	simm.s32 $0x108;
	s8 =	sld [smem:$0x3FAC]  }
0x2e: {  	s3 =	simm.s32 @!p0 $0x1082;
	s9 =	sld [smem:$0x3FAD]  }
0x2f: {  	lr =	sadd.s32 s0, s3;
	s0 =	sld [smem:$0x3FA4]  }
0x30: {  	s3 =	sld [smem:$0x3FA7]  }
0x31: {  	[smem:$0x3FB0] =	sst s10  }
0x32: {  	s10 =	sld [smem:$0x3FAE];
	_ =	sdelay $0x3  }
0x33: {  	p0 =	seq.s32 s10, $0x1;
	s10 =	sld [smem:$0x3FB0];
	_ =	sdelay $0x3  }
0x34: {  	[smem:$0x3FB0] =	sst s10  }
0x35: {  	s10 =	sld [smem:$0x3FAF];
	_ =	sdelay $0x3  }
0x36: {  	p1 =	seq.s32 s10, $0x1;
	s10 =	sld [smem:$0x3FB0];
	_ =	sdelay $0x3  }
0x37: {  	[smem:$0x3FB0] =	sst s10  }
0x38: {  	s10 =	sld [smem:$0x3FB1]  }
0x39: {  	_ = 	snop;
	(pc) =	sbr.ind lr, $3  }
0x3a: {  	_ = 	snop  }
0x3b: {  	_ = 	snop  }
0x3c: {  	p2 =	seq.s32 s10, $0x1;
	s10 =	sld [smem:$0x3FB0]  }
0x3d: {  	_ =	shalt  }
0x3e: {  	_ =	shalt  }
0x3f: {  	_ =	shalt  }
0x40: {  	_ =	shalt  }
0x41: {  	_ =	shalt  }
0x42: {  	_ =	shalt  }
0x43: {  	_ =	shalt  }
0x44: {  	_ =	shalt  }
0x45: {  	_ =	shalt  }
0x46: {  	_ =	shalt  }
0x47: {  	_ =	shalt  }
0x48: {  	_ =	shalt  }
0x49: {  	_ =	shalt  }
0x4a: {  	_ =	shalt  }
0x4b: {  	_ =	shalt  }
0x4c: {  	_ =	shalt  }
0x4d: {  	_ =	shalt  }
0x4e: {  	_ =	shalt  }
0x4f: {  	_ =	shalt  }
0x50: {  	_ =	shalt  }
0x51: {  	_ =	shalt  }
0x52: {  	_ =	shalt  }
0x53: {  	_ =	shalt  }
0x54: {  	_ =	shalt  }
0x55: {  	_ =	shalt  }
0x56: {  	_ =	shalt  }
0x57: {  	_ =	shalt  }
0x58: {  	_ =	shalt  }
0x59: {  	_ =	shalt  }
0x5a: {  	_ =	shalt  }
0x5b: {  	_ =	shalt  }
0x5c: {  	_ =	shalt  }
0x5d: {  	_ =	shalt  }
0x5e: {  	_ =	shalt  }
0x5f: {  	_ =	shalt  }
0x60: {  	_ =	shalt  }
0x61: {  	_ =	shalt  }
0x62: {  	_ =	shalt  }
0x63: {  	_ =	shalt  }
0x64: {  	_ =	shalt  }
0x65: {  	_ =	shalt  }
0x66: {  	_ =	shalt  }
0x67: {  	_ =	shalt  }
0x68: {  	_ =	shalt  }
0x69: {  	_ =	shalt  }
0x6a: {  	_ =	shalt  }
0x6b: {  	_ =	shalt  }
0x6c: {  	_ =	shalt  }
0x6d: {  	_ =	shalt  }
0x6e: {  	_ =	shalt  }
0x6f: {  	_ =	shalt  }
0x70: {  	_ =	shalt  }
0x71: {  	_ =	shalt  }
0x72: {  	_ =	shalt  }
0x73: {  	_ =	shalt  }
0x74: {  	_ =	shalt  }
0x75: {  	_ =	shalt  }
0x76: {  	_ =	shalt  }
0x77: {  	_ =	shalt  }
0x78: {  	_ =	shalt  }
0x79: {  	_ =	shalt  }
0x7a: {  	_ =	shalt  }
0x7b: {  	_ =	shalt  }
0x7c: {  	_ =	shalt  }
0x7d: {  	_ =	shalt  }
0x7e: {  	_ =	shalt  }
0x7f: {  	_ =	shalt  }
0x80: {  	_ =	shalt  }
0x81: {  	_ =	shalt  }
0x82: {  	_ =	shalt  }
0x83: {  	_ =	shalt  }
0x84: {  	_ =	shalt  }
0x85: {  	_ =	shalt  }
0x86: {  	_ =	shalt  }
0x87: {  	_ =	shalt  }
.Lfunc_end0:
.L_simem_size_0:
called_computation.2_lowered:
.L_overlay_start_0:
0x88: {  	s2 =	sld [smem:$0x3FD9]  }
0x89: {  	s3 =	sld [smem:$0x3FFE];
	_ =	sdelay $0x1  }
0x8a: {  	s1 =	srdreg.scid  }
0x8b: {  	s0 =	sand.u32 $0x1, s1  }
0x8c: {  	s17 =	sshll.u32 s0, $0xA;
	s2 =	sadd.s32 s3, s2  }
0x8d: {  	s2 =	sadd.s32 s2, s17  }
0x8e: {  	[smem:$0x3FBC] =	sst s2  }
0x8f: {  	_ = 	snop  }
0x90: {  	s2 =	sld [smem:$0x3FD0];
	(tm) =	ssettm $0x1  }
0x91: {  	s18 =	sld [smem:$0x3FFB];
	_ =	sdelay $0x3  }
0x92: {  	_ =	strace s18  }
0x93: {  	s3 =	sld [smem:$0x3FFC];
	_ =	sdelay $0x3  }
0x94: {  	_ =	strace s3  }
0x95: {  	s3 =	sld [smem:$0x3FFD];
	_ =	sdelay $0x3  }
0x96: {  	_ =	strace s3  }
0x97: {  	_ =	strace $0x8FFFFFFF  }
0x98: {  	s19 =	sld [smem:$0x3FDB];
	_ =	sdelay $0x1  }
0x99: {  	s4 =	simm.s32 $_scs_section_size  }
0x9a: {  	s5 =	simm.s32 $_size__tile_overlayer_lowered;
	s6 =	simm.s32 $_tile_overlayer_lowered  }
0x9b: {  	s22 =	simm.s32 $0x1BFF;
	s21 =	sshll.u32 s6, $0x1;
	s3 =	sadd.s32 s4, s19  }
0x9c: {  	s7 =	simm.s32 $0x0;
	s20 =	sshll.u32 s5, $0x1;
	s5 =	sadd.s32 s21, s3  }
0x9d: {  	[timem:s7], [sflag:s22] =	dma.local [hbm:s5], s20  }
0x9e: {  	_ =	swait.ge [sflag:s22], s20  }
0x9f: {  	s4 =	ssub.s32 $0x0, s20;
	[sflag:s22] =	ssyncset.done $0x0  }
0xa0: {  	[sflag:s22] =	ssyncadd.s32 s4;
	_ =	sdelay $0x1  }
0xa1: {  	s23 =	simm.s32 $0x1B8B  }
0xa2: {  	_ =	swait.ge [sflag:s23], $0x1  }
0xa3: {  	[sflag:s23] =	ssyncset.done $0x0  }
0xa4: {  	s25 =	simm.s32 $0x1B8E;
	s24 =	sld [smem:$0x3FFE];
	[sflag:s23] =	ssyncadd.s32 $0xFFFFFFFF  }
0xa5: {  	s26 =	simm.s32 $execute0_lowered;
	[smem:$0x3FD2] =	sst s25  }
0xa6: {  	s5 =	sshll.u32 s26, $0x1;
	_ =	strace $0x8000004C;
	[dreg:$0x1] =	wrdreg $0xFFFFFFFF  }
0xa7: {  	s28 =	simm.s32 $_size_execute0_lowered;
	s3 =	sadd.s32 s3, s5;
	[dreg:$0x0] =	wrdreg $0x0  }
0xa8: {  	s5 =	sshll.u32 s28, $0x1;
	[dreg:$0x2] =	wrdreg s3  }
0xa9: {  	[dreg:$0x3] =	wrdreg s5  }
0xaa: {  	[dreg:$0x4] =	wrdreg $0xC0  }
0xab: {  	_ =	task [dreg:s7], $0x5FFFF  }
0xac: {  	[dreg:$0x1] =	wrdreg $0xFFFFFFFF  }
0xad: {  	[dreg:$0x0] =	wrdreg $0x60  }
0xae: {  	[dreg:$0x2] =	wrdreg s24  }
0xaf: {  	[dreg:$0x3] =	wrdreg s2  }
0xb0: {  	[dreg:$0x4] =	wrdreg $0x41000  }
0xb1: {  	[dreg:$0x5] =	wrdreg $0x9  }
0xb2: {  	_ =	task.clear_ibuf [dreg:s7], $0x6FFFF;
	_ =	strace $0x9000004C  }
0xb3: {  	s29 =	simm.s32 $0x9;
	_ =	strace $0x8000004E  }
0xb4: {  	_ =	swait.ge [sflag:s29], $0x1  }
0xb5: {  	[sflag:s29] =	ssyncadd.s32 $0xFFFFFFFF  }
0xb6: {  	_ =	strace $0x9000004E  }
0xb7: {  	_ =	sfence  }
0xb8: {  	s30 =	sld [smem:$0x0];
	_ =	sdelay $0x2  }
0xb9: {  	s31 =	sshll.u32 s1, $0xD;
	s1 =	sshrl.u32 s1, $0x2  }
0xba: {  	s3 =	sand.u32 $0x4000, s31;
	s1 =	sadd.s32 s1, s30  }
0xbb: {  	s0 =	sor.u32 s3, s0;
	s1 =	sshll.u32 s1, $0x11  }
0xbc: {  	s0 =	sor.u32 s1, s0  }
0xbd: {  	s0 =	sadd.s32 $0x8F2B, s0  }
0xbe: {  	[sflag:s0] =	ssyncadd.remote.s32 $0x1  }
0xbf: {  	_ =	sfence.sel $0xFFFF  }
0xc0: {  	[dreg:$0x0] =	wrdreg $0xFFFFFFFF;
	(pc) =	sbr.abs _section_cstart, $3  }
0xc1: {  	[dreg:$0x1] =	wrdreg $0xFFFFFFFF  }
0xc2: {  	_ =	task.clear_ibuf [dreg:s7], $0x2FFFF;
	_ =	strace $0x9FFFFFFF  }
0xc3: {  	(tm) =	ssettm $0x7FFFFFFF  }
tec
execute0_lowered:
.L_overlay_start_1:
0x0: {  	(tag) =	ssettag $0x1  }
0x1: {  	s6 =	rddreg [dreg:$0x0]  }
0x2: {  	s9 =	rddreg [dreg:$0x1]  }
0x3: {  	s1 =	rddreg [dreg:$0x2];
	s2 =	srdreg.scid  }
0x4: {  	s0 =	rddreg [dreg:$0x3];
	s5 =	sand.u32 $0x1, s2  }
0x5: {  	s2 =	stileid.u32;
	s7 =	smul.u32 $0x13C000, s5  }
0x6: {  	s3 =	simm.s32 $0x0;
	s14 =	simm.s32 $0x1;
	s8 =	smul.u32 $0x13C00, s2  }
0x7: {  	s15 =	simm.s32 $0x0;
	[smem:$0x7FF] =	sst s3;
	s10 =	smul.u32 $0x4F000, s2  }
0x8: {  	s4 =	sadd.s32 $0x7A00, s6;
	_ =	strace $0x8000004D;
	s11 =	smul.u32 $0x9E00, s2  }
0x9: {  	s26 =	ssub.s32 $0x2, s5;
	s13 =	smul.u32 $0x4F00, s5;
	s5 =	sadd.s32 $0x5200, s6  }
0xa: {  	s29 =	sshll.u32 s2, $0x6;
	s12 =	sshrl.u32 s26, $0x1;
	s7 =	sadd.s32 s8, s7  }
0xb: {  	s8 =	ssub.s32 s26, s12;
	s28 =	sshrl.u32 s10, $0x2;
	s11 =	sadd.s32 s13, s11  }
0xc: {  	s12 =	simm.s32 $0x80;
	s13 =	simm.s32 $0x100;
	s7 =	sshrl.u32 s7, $0x3  }
0xd: {  	s30 =	sadd.s32 s28, s1;
	s31 =	sshrl.u32 s11, $0x3;
	s8 =	smax.u32 s8, $0x1  }
0xe: {  	s11 =	simm.s32 $0x2;
	s7 =	sadd.s32 s7, s6;
	s6 =	sor.u32 $0x1C02, s29  }
0xf: {  	s9 =	sadd.s32 s31, s9;
	s10 =	sshrl.u32 s30, $0x3;
	s7 =	sadd.s32 $0x55E00, s7  }
.LBB2_1:
0x10: {  	[spmem:s10], [sflag:s6] =	dma.local [hbm:s5], $0x2780  }
0x11: {  	_ =	swait.ge [sflag:s11], $0x2780  }
0x12: {  	[sflag:s11] =	ssyncset.done $0x0  }
0x13: {  	[sflag:s11] =	ssyncadd.s32 $0xFFFFD880  }
0x14: {  	s16 =	sadd.s32 $0x0, s9;
	[bflag:$0x0] =	sbarrier.arrive $0xFFFF  }
0x15: {  	[tilespmem:s3], [sflag:$0x2] =	stream.linear.gather [hbm4b:s16+s3], $0x100, $0x38;
	[tilespmem:$0x17D00] =	vst v63  }
0x16: {  	_ =	swait.ge [sflag:s11], $0x100  }
0x17: {  	[sflag:s11] =	ssyncset.done $0x0  }
0x18: {  	[sflag:s11] =	ssyncadd.s32 $0xFFFFFF00  }
0x19: {  	[tilespmem:s13], [sflag:$0x1] =	stream.indirect.gather [hbm4b:s4+s12], $0x80, s3, s12, $0xb8;
	[tilespmem:$0x17D00] =	vst v63  }
0x1a: {  	_ =	swait.ge [sflag:s14], $0x4000  }
0x1b: {  	[sflag:s14] =	ssyncset.done $0x0  }
0x1c: {  	[sflag:s14] =	ssyncadd.s32 $0xFFFFC000  }
0x1d: {  	[spmem:s1] =	stream.indirect.scatter.add.f32 [tilespmem:s13], [sflag:$0x2], $0x80, s12, s12, $0xb8;
	[tilespmem:$0x17D00] =	vst v63  }
0x1e: {  	_ =	swait.ge [sflag:s11], $0x4000  }
0x1f: {  	s17 =	simm.s32 $0x40;
	s16 =	simm.s32 $0x20;
	[sflag:s11] =	ssyncset.done $0x0  }
.LBB2_2:
0x20: {  	s18 =	sadd.s32 s16, s9  }
0x21: {  	[sflag:s11] =	ssyncadd.s32 $0xFFFFC000;
	s16 =	smov.u32 s17;
	s19 =	sadd.s32 $0x20, s17  }
0x22: {  	[tilespmem:s3], [sflag:$0x2] =	stream.linear.gather [hbm4b:s18+s3], $0x100, $0x38;
	[tilespmem:$0x17D00] =	vst v63  }
0x23: {  	p0 =	sne.s32 s17, $0x9C0;
	_ =	swait.ge [sflag:s11], $0x100  }
0x24: {  	[sflag:s11] =	ssyncset.done $0x0  }
0x25: {  	[sflag:s11] =	ssyncadd.s32 $0xFFFFFF00  }
0x26: {  	[tilespmem:s13], [sflag:$0x1] =	stream.indirect.gather [hbm4b:s4+s12], $0x80, s3, s12, $0xb8;
	[tilespmem:$0x17D00] =	vst v63  }
0x27: {  	_ =	swait.ge [sflag:s14], $0x4000  }
.Ltmp0:
0x28: {  	[sflag:s14] =	ssyncset.done $0x0;
	(pc) =	sbr.rel @p0 .LBB2_2-.Ltmp0, $4  }
0x29: {  	[sflag:s14] =	ssyncadd.s32 $0xFFFFC000  }
0x2a: {  	[spmem:s1] =	stream.indirect.scatter.add.f32 [tilespmem:s13], [sflag:$0x2], $0x80, s12, s12, $0xb8;
	[tilespmem:$0x17D00] =	vst v63  }
0x2b: {  	_ =	swait.ge [sflag:s11], $0x4000  }
0x2c: {  	s17 =	smov.u32 s19;
	[sflag:s11] =	ssyncset.done $0x0  }
0x2d: {  	s16 =	sadd.s32 s16, s9;
	[sflag:s11] =	ssyncadd.s32 $0xFFFFC000  }
0x2e: {  	[tilespmem:s3], [sflag:$0x2] =	stream.linear.gather [hbm4b:s16+s3], $0x100, $0x38;
	[tilespmem:$0x17D00] =	vst v63  }
0x2f: {  	_ =	swait.ge [sflag:s11], $0x100  }
0x30: {  	[sflag:s11] =	ssyncset.done $0x0  }
0x31: {  	[sflag:s11] =	ssyncadd.s32 $0xFFFFFF00  }
0x32: {  	[tilespmem:s13], [sflag:$0x1] =	stream.indirect.gather [hbm4b:s4+s12], $0x80, s3, s12, $0xb8;
	[tilespmem:$0x17D00] =	vst v63  }
0x33: {  	_ =	swait.ge [sflag:s14], $0x4000  }
0x34: {  	[sflag:s14] =	ssyncset.done $0x0  }
0x35: {  	[sflag:s14] =	ssyncadd.s32 $0xFFFFC000  }
0x36: {  	[spmem:s1] =	stream.indirect.scatter.add.f32 [tilespmem:s13], [sflag:$0x2], $0x80, s12, s12, $0xb8;
	[tilespmem:$0x17D00] =	vst v63  }
0x37: {  	_ =	swait.ge [sflag:s11], $0x4000  }
0x38: {  	s15 =	sadd.s32 $0x1, s15;
	[sflag:s11] =	ssyncset.done $0x0  }
0x39: {  	p0 =	sne.s32 s15, s8;
	[sflag:s11] =	ssyncadd.s32 $0xFFFFC000  }
.Ltmp1:
0x3a: {  	[bflag:$0x0] =	sbarrier.arrive $0xFFFF;
	(pc) =	sbr.rel @p0 .LBB2_1-.Ltmp1, $4  }
0x3b: {  	[hbm:s7], [sflag:s6] =	dma.local [spmem:s10], $0x2780  }
0x3c: {  	_ =	swait.ge [sflag:s11], $0x2780  }
0x3d: {  	[sflag:s11] =	ssyncset.done $0x0  }
0x3e: {  	[sflag:s11] =	ssyncadd.s32 $0xFFFFD880  }
0x3f: {  	_ =	sfence.sel $0x180000  }
0x40: {  	[bflag:$0x0] =	sbarrier.arrive $0xFFFF  }
0x41: {  	p0 =	sne.s32 s2, $0x0;
	_ =	strace $0x9000004D  }
0x42: {  	s0 =	sadd.s32 @!p0 $0x100000, s0;
	[bflag:$0x2] =	sbarrier.arrive $0xFFFF  }
0x43: {  	[sflag:s0] =	ssyncadd.tile.s32 @!p0 $0x1;
	_ =	shalt  }
.Lfunc_end2:
_tile_overlayer_lowered:
.L_overlay_start_2:
0x44: {  	(tag) =	ssettag $0x2  }
0x45: {  	s0 =	rddreg [dreg:$0x0];
	s2 =	stileid.u32  }
0x46: {  	s1 =	rddreg [dreg:$0x1];
	p0 =	sne.s32 s2, $0x0  }
0x47: {  	s3 =	rddreg [dreg:$0x2];
	[bflag:$0x3] =	sbarrier.arrive $0xFFFF;
	s2 =	simm.s32 @!p0 $0x1C02  }
0x48: {  	[timem:s3], [sflag:s2] =	dma.local @!p0 [hbm:s0], s1  }
0x49: {  	s0 =	simm.s32 @!p0 $0x2  }
0x4a: {  	_ =	swait.ge @!p0 [sflag:s0], s1  }
0x4b: {  	s1 =	ssub.s32 @!p0 $0x0, s1;
	[sflag:s0] =	ssyncset.done @!p0 $0x0  }
0x4c: {  	[sflag:s0] =	ssyncadd.s32 @!p0 s1  }
0x4d: {  	[bflag:$0x3] =	sbarrier.arrive $0xFFFF  }
0x4e: {  	_ =	shalt  }

// kernel: kernel.19.cloned.1.call-start
scs
__scs_entry_jumppad:
0x0: {  	(pc) =	sbr.rel $0x88, $3  }
0x1: {  	(tag) =	ssettag $0x0;
	lr =	simm.s32 $0x1  }
0x2: {  	[smem:$0x3F95] =	sst lr;
	_ =	strace $0xD0000000  }
0x3: {  	_ = 	snop  }
0x4: {  	_ = 	snop  }
0x5: {  	_ = 	snop  }
0x6: {  	_ = 	snop  }
0x7: {  	_ = 	snop  }
__scs_overlays_trampoline_lowered:
0x8: {  	[smem:$0x3FA4] =	sst s0  }
0x9: {  	[smem:$0x3FA5] =	sst s1  }
0xa: {  	[smem:$0x3FA6] =	sst s2  }
0xb: {  	[smem:$0x3FA7] =	sst s3  }
0xc: {  	[smem:$0x3FA8] =	sst s4  }
0xd: {  	[smem:$0x3FA9] =	sst s5  }
0xe: {  	[smem:$0x3FAA] =	sst s6  }
0xf: {  	[smem:$0x3FAB] =	sst s7  }
0x10: {  	[smem:$0x3FAC] =	sst s8  }
0x11: {  	[smem:$0x3FAD] =	sst s9;
	s0 =	simm.s32 @!p0 $0x0  }
0x12: {  	s1 =	sld [smem:$0x3F93];
	s0 =	simm.s32 @p0 $0x1  }
0x13: {  	[smem:$0x3FAE] =	sst s0;
	s0 =	simm.s32 @!p1 $0x0  }
0x14: {  	s2 =	sld [smem:$0x3F92];
	s0 =	simm.s32 @p1 $0x1  }
0x15: {  	[smem:$0x3FAF] =	sst s0;
	s0 =	simm.s32 @!p2 $0x0  }
0x16: {  	s3 =	sld [smem:$0x3FDB];
	s0 =	simm.s32 @p2 $0x1  }
0x17: {  	s4 =	simm.s32 $0x1BF5;
	[smem:$0x3FB1] =	sst s0  }
0x18: {  	s0 =	sld [smem:$0x3F94];
	_ =	swait.ge [sflag:s4], $0x0  }
0x19: {  	s7 =	sld [smem:$0x3F95]  }
0x1a: {  	s8 =	sadd.s32 $0xFFFFE003, lr  }
0x1b: {  	s9 =	sadd.s32 $0xFFFFFEF7, lr;
	s5 =	simm.s32 $0xFFFFFFFF;
	p2 =	slt.u32 s8, $0xFFFFF086  }
0x1c: {  	p1 =	slt.u32 s9, $0xF7A;
	s5 =	simm.s32 @!p2 $0x0  }
0x1d: {  	s5 =	simm.s32 @p1 $0x1;
	p0 =	seq.s32 s7, s2  }
0x1e: {  	s7 =	smul.u32 @!p0 $0xF7A, s2;
	p2 =	seq.s32 @!p0 s5, $0x0  }
0x1f: {  	s9 =	smul.u32 $0xF7A, s1;
	s8 =	simm.s32 @!p0 $0x1BF5;
	p2 =	por !p2, p0  }
0x20: {  	[sflag:s8] =	ssyncset.s32 @!p0 $0xFFFFF086;
	s6 =	sadd.s32 @!p0 s3, s7;
	s7 =	simm.s32 @!p0 $0x108  }
0x21: {  	s3 =	sadd.s32 s3, s9;
	s6 =	sadd.s32 @!p0 $0x88, s6;
	s7 =	simm.s32 @p2 $0x1082  }
0x22: {  	[simem:s7], [sflag:s8] =	dma.local @!p0 [hbm:s6], $0xF7A  }
0x23: {  	s9 =	sor.u32 $0xD0000000, s2;
	s6 =	simm.s32 $0x108;
	_ =	swait.ge @!p0 [sflag:s8], $0x0  }
0x24: {  	s3 =	sadd.s32 $0x88, s3;
	s6 =	simm.s32 @!p1 $0x1082;
	[sflag:s4] =	ssyncset.s32 $0xFFFFF086  }
0x25: {  	[simem:s6], [sflag:s4] =	dma.local [hbm:s3], $0xF7A  }
0x26: {  	[smem:$0x3F95] =	sst s1;
	(tag) =	ssettag s2;
	_ =	strace s9  }
0x27: {  	s1 =	sld [smem:$0x3FA5]  }
0x28: {  	s2 =	sld [smem:$0x3FA6]  }
0x29: {  	s4 =	sld [smem:$0x3FA8]  }
0x2a: {  	p0 =	seq.s32 s5, $0x0;
	s5 =	sld [smem:$0x3FA9]  }
0x2b: {  	s6 =	sld [smem:$0x3FAA]  }
0x2c: {  	s7 =	sld [smem:$0x3FAB]  }
0x2d: {  	s3 =	simm.s32 $0x108;
	s8 =	sld [smem:$0x3FAC]  }
0x2e: {  	s3 =	simm.s32 @!p0 $0x1082;
	s9 =	sld [smem:$0x3FAD]  }
0x2f: {  	lr =	sadd.s32 s0, s3;
	s0 =	sld [smem:$0x3FA4]  }
0x30: {  	s3 =	sld [smem:$0x3FA7]  }
0x31: {  	[smem:$0x3FB0] =	sst s10  }
0x32: {  	s10 =	sld [smem:$0x3FAE];
	_ =	sdelay $0x3  }
0x33: {  	p0 =	seq.s32 s10, $0x1;
	s10 =	sld [smem:$0x3FB0];
	_ =	sdelay $0x3  }
0x34: {  	[smem:$0x3FB0] =	sst s10  }
0x35: {  	s10 =	sld [smem:$0x3FAF];
	_ =	sdelay $0x3  }
0x36: {  	p1 =	seq.s32 s10, $0x1;
	s10 =	sld [smem:$0x3FB0];
	_ =	sdelay $0x3  }
0x37: {  	[smem:$0x3FB0] =	sst s10  }
0x38: {  	s10 =	sld [smem:$0x3FB1]  }
0x39: {  	_ = 	snop;
	(pc) =	sbr.ind lr, $3  }
0x3a: {  	_ = 	snop  }
0x3b: {  	_ = 	snop  }
0x3c: {  	p2 =	seq.s32 s10, $0x1;
	s10 =	sld [smem:$0x3FB0]  }
0x3d: {  	_ =	shalt  }
0x3e: {  	_ =	shalt  }
0x3f: {  	_ =	shalt  }
0x40: {  	_ =	shalt  }
0x41: {  	_ =	shalt  }
0x42: {  	_ =	shalt  }
0x43: {  	_ =	shalt  }
0x44: {  	_ =	shalt  }
0x45: {  	_ =	shalt  }
0x46: {  	_ =	shalt  }
0x47: {  	_ =	shalt  }
0x48: {  	_ =	shalt  }
0x49: {  	_ =	shalt  }
0x4a: {  	_ =	shalt  }
0x4b: {  	_ =	shalt  }
0x4c: {  	_ =	shalt  }
0x4d: {  	_ =	shalt  }
0x4e: {  	_ =	shalt  }
0x4f: {  	_ =	shalt  }
0x50: {  	_ =	shalt  }
0x51: {  	_ =	shalt  }
0x52: {  	_ =	shalt  }
0x53: {  	_ =	shalt  }
0x54: {  	_ =	shalt  }
0x55: {  	_ =	shalt  }
0x56: {  	_ =	shalt  }
0x57: {  	_ =	shalt  }
0x58: {  	_ =	shalt  }
0x59: {  	_ =	shalt  }
0x5a: {  	_ =	shalt  }
0x5b: {  	_ =	shalt  }
0x5c: {  	_ =	shalt  }
0x5d: {  	_ =	shalt  }
0x5e: {  	_ =	shalt  }
0x5f: {  	_ =	shalt  }
0x60: {  	_ =	shalt  }
0x61: {  	_ =	shalt  }
0x62: {  	_ =	shalt  }
0x63: {  	_ =	shalt  }
0x64: {  	_ =	shalt  }
0x65: {  	_ =	shalt  }
0x66: {  	_ =	shalt  }
0x67: {  	_ =	shalt  }
0x68: {  	_ =	shalt  }
0x69: {  	_ =	shalt  }
0x6a: {  	_ =	shalt  }
0x6b: {  	_ =	shalt  }
0x6c: {  	_ =	shalt  }
0x6d: {  	_ =	shalt  }
0x6e: {  	_ =	shalt  }
0x6f: {  	_ =	shalt  }
0x70: {  	_ =	shalt  }
0x71: {  	_ =	shalt  }
0x72: {  	_ =	shalt  }
0x73: {  	_ =	shalt  }
0x74: {  	_ =	shalt  }
0x75: {  	_ =	shalt  }
0x76: {  	_ =	shalt  }
0x77: {  	_ =	shalt  }
0x78: {  	_ =	shalt  }
0x79: {  	_ =	shalt  }
0x7a: {  	_ =	shalt  }
0x7b: {  	_ =	shalt  }
0x7c: {  	_ =	shalt  }
0x7d: {  	_ =	shalt  }
0x7e: {  	_ =	shalt  }
0x7f: {  	_ =	shalt  }
0x80: {  	_ =	shalt  }
0x81: {  	_ =	shalt  }
0x82: {  	_ =	shalt  }
0x83: {  	_ =	shalt  }
0x84: {  	_ =	shalt  }
0x85: {  	_ =	shalt  }
0x86: {  	_ =	shalt  }
0x87: {  	_ =	shalt  }
.Lfunc_end0:
.L_simem_size_0:
called_computation.3_lowered:
.L_overlay_start_0:
0x88: {  	s2 =	sld [smem:$0x3FD9]  }
0x89: {  	s3 =	sld [smem:$0x3FFE];
	_ =	sdelay $0x1  }
0x8a: {  	s1 =	srdreg.scid  }
0x8b: {  	s0 =	sand.u32 $0x1, s1  }
0x8c: {  	s17 =	sshll.u32 s0, $0xA;
	s2 =	sadd.s32 s3, s2  }
0x8d: {  	s2 =	sadd.s32 s2, s17  }
0x8e: {  	[smem:$0x3FBC] =	sst s2  }
0x8f: {  	_ = 	snop  }
0x90: {  	s2 =	sld [smem:$0x3FD0];
	(tm) =	ssettm $0x1  }
0x91: {  	s18 =	sld [smem:$0x3FFB];
	_ =	sdelay $0x3  }
0x92: {  	_ =	strace s18  }
0x93: {  	s3 =	sld [smem:$0x3FFC];
	_ =	sdelay $0x3  }
0x94: {  	_ =	strace s3  }
0x95: {  	s3 =	sld [smem:$0x3FFD];
	_ =	sdelay $0x3  }
0x96: {  	_ =	strace s3  }
0x97: {  	_ =	strace $0x8FFFFFFF  }
0x98: {  	s19 =	sld [smem:$0x3FDB];
	_ =	sdelay $0x1  }
0x99: {  	s4 =	simm.s32 $_scs_section_size  }
0x9a: {  	s5 =	simm.s32 $_size__tile_overlayer_lowered;
	s6 =	simm.s32 $_tile_overlayer_lowered  }
0x9b: {  	s22 =	simm.s32 $0x1BFF;
	s21 =	sshll.u32 s6, $0x1;
	s3 =	sadd.s32 s4, s19  }
0x9c: {  	s7 =	simm.s32 $0x0;
	s20 =	sshll.u32 s5, $0x1;
	s5 =	sadd.s32 s21, s3  }
0x9d: {  	[timem:s7], [sflag:s22] =	dma.local [hbm:s5], s20  }
0x9e: {  	_ =	swait.ge [sflag:s22], s20  }
0x9f: {  	s4 =	ssub.s32 $0x0, s20;
	[sflag:s22] =	ssyncset.done $0x0  }
0xa0: {  	[sflag:s22] =	ssyncadd.s32 s4;
	_ =	sdelay $0x1  }
0xa1: {  	s23 =	simm.s32 $0x1B8B  }
0xa2: {  	_ =	swait.ge [sflag:s23], $0x1  }
0xa3: {  	[sflag:s23] =	ssyncset.done $0x0  }
0xa4: {  	s25 =	simm.s32 $0x1B8E;
	s24 =	sld [smem:$0x3FFE];
	[sflag:s23] =	ssyncadd.s32 $0xFFFFFFFF  }
0xa5: {  	s26 =	simm.s32 $execute0_lowered;
	[smem:$0x3FD2] =	sst s25  }
0xa6: {  	s5 =	sshll.u32 s26, $0x1;
	_ =	strace $0x8000004F;
	[dreg:$0x1] =	wrdreg $0xFFFFFFFF  }
0xa7: {  	s28 =	simm.s32 $_size_execute0_lowered;
	s3 =	sadd.s32 s3, s5;
	[dreg:$0x0] =	wrdreg $0x0  }
0xa8: {  	s5 =	sshll.u32 s28, $0x1;
	[dreg:$0x2] =	wrdreg s3  }
0xa9: {  	[dreg:$0x3] =	wrdreg s5  }
0xaa: {  	[dreg:$0x4] =	wrdreg $0xC0  }
0xab: {  	_ =	task [dreg:s7], $0x5FFFF  }
0xac: {  	[dreg:$0x1] =	wrdreg $0xFFFFFFFF  }
0xad: {  	[dreg:$0x0] =	wrdreg $0x60  }
0xae: {  	[dreg:$0x2] =	wrdreg s24  }
0xaf: {  	[dreg:$0x3] =	wrdreg s2  }
0xb0: {  	[dreg:$0x4] =	wrdreg $0x41000  }
0xb1: {  	[dreg:$0x5] =	wrdreg $0x9  }
0xb2: {  	_ =	task.clear_ibuf [dreg:s7], $0x6FFFF;
	_ =	strace $0x9000004F  }
0xb3: {  	s29 =	simm.s32 $0x9;
	_ =	strace $0x80000051  }
0xb4: {  	_ =	swait.ge [sflag:s29], $0x1  }
0xb5: {  	[sflag:s29] =	ssyncadd.s32 $0xFFFFFFFF  }
0xb6: {  	_ =	strace $0x90000051  }
0xb7: {  	_ =	sfence  }
0xb8: {  	s30 =	sld [smem:$0x0];
	_ =	sdelay $0x2  }
0xb9: {  	s31 =	sshll.u32 s1, $0xD;
	s1 =	sshrl.u32 s1, $0x2  }
0xba: {  	s3 =	sand.u32 $0x4000, s31;
	s1 =	sadd.s32 s1, s30  }
0xbb: {  	s0 =	sor.u32 s3, s0;
	s1 =	sshll.u32 s1, $0x11  }
0xbc: {  	s0 =	sor.u32 s1, s0  }
0xbd: {  	s0 =	sadd.s32 $0x8F2B, s0  }
0xbe: {  	[sflag:s0] =	ssyncadd.remote.s32 $0x1  }
0xbf: {  	_ =	sfence.sel $0xFFFF  }
0xc0: {  	[dreg:$0x0] =	wrdreg $0xFFFFFFFF;
	(pc) =	sbr.abs _section_cstart, $3  }
0xc1: {  	[dreg:$0x1] =	wrdreg $0xFFFFFFFF  }
0xc2: {  	_ =	task.clear_ibuf [dreg:s7], $0x2FFFF;
	_ =	strace $0x9FFFFFFF  }
0xc3: {  	(tm) =	ssettm $0x7FFFFFFF  }
tec
execute0_lowered:
.L_overlay_start_1:
0x0: {  	(tag) =	ssettag $0x1  }
0x1: {  	s6 =	rddreg [dreg:$0x0]  }
0x2: {  	s9 =	rddreg [dreg:$0x1]  }
0x3: {  	s1 =	rddreg [dreg:$0x2];
	s2 =	srdreg.scid  }
0x4: {  	s0 =	rddreg [dreg:$0x3];
	s5 =	sand.u32 $0x1, s2  }
0x5: {  	s2 =	stileid.u32;
	s7 =	smul.u32 $0x13C000, s5  }
0x6: {  	s3 =	simm.s32 $0x0;
	s14 =	simm.s32 $0x1;
	s8 =	smul.u32 $0x13C00, s2  }
0x7: {  	s15 =	simm.s32 $0x0;
	[smem:$0x7FF] =	sst s3;
	s10 =	smul.u32 $0x4F000, s2  }
0x8: {  	s4 =	sadd.s32 $0x7A00, s6;
	_ =	strace $0x80000050;
	s11 =	smul.u32 $0x9E00, s2  }
0x9: {  	s26 =	ssub.s32 $0x2, s5;
	s13 =	smul.u32 $0x4F00, s5;
	s5 =	sadd.s32 $0x5200, s6  }
0xa: {  	s29 =	sshll.u32 s2, $0x6;
	s12 =	sshrl.u32 s26, $0x1;
	s7 =	sadd.s32 s8, s7  }
0xb: {  	s8 =	ssub.s32 s26, s12;
	s28 =	sshrl.u32 s10, $0x2;
	s11 =	sadd.s32 s13, s11  }
0xc: {  	s12 =	simm.s32 $0x80;
	s13 =	simm.s32 $0x100;
	s7 =	sshrl.u32 s7, $0x3  }
0xd: {  	s30 =	sadd.s32 s28, s1;
	s31 =	sshrl.u32 s11, $0x3;
	s8 =	smax.u32 s8, $0x1  }
0xe: {  	s11 =	simm.s32 $0x2;
	s7 =	sadd.s32 s7, s6;
	s6 =	sor.u32 $0x1C02, s29  }
0xf: {  	s9 =	sadd.s32 s31, s9;
	s10 =	sshrl.u32 s30, $0x3;
	s7 =	sadd.s32 $0x2EC00, s7  }
.LBB2_1:
0x10: {  	[spmem:s10], [sflag:s6] =	dma.local [hbm:s5], $0x2780  }
0x11: {  	_ =	swait.ge [sflag:s11], $0x2780  }
0x12: {  	[sflag:s11] =	ssyncset.done $0x0  }
0x13: {  	[sflag:s11] =	ssyncadd.s32 $0xFFFFD880  }
0x14: {  	s16 =	sadd.s32 $0x0, s9;
	[bflag:$0x0] =	sbarrier.arrive $0xFFFF  }
0x15: {  	[tilespmem:s3], [sflag:$0x2] =	stream.linear.gather [hbm4b:s16+s3], $0x100, $0x38;
	[tilespmem:$0x17D00] =	vst v63  }
0x16: {  	_ =	swait.ge [sflag:s11], $0x100  }
0x17: {  	[sflag:s11] =	ssyncset.done $0x0  }
0x18: {  	[sflag:s11] =	ssyncadd.s32 $0xFFFFFF00  }
0x19: {  	[tilespmem:s13], [sflag:$0x1] =	stream.indirect.gather [hbm4b:s4+s12], $0x80, s3, s12, $0xb8;
	[tilespmem:$0x17D00] =	vst v63  }
0x1a: {  	_ =	swait.ge [sflag:s14], $0x4000  }
0x1b: {  	[sflag:s14] =	ssyncset.done $0x0  }
0x1c: {  	[sflag:s14] =	ssyncadd.s32 $0xFFFFC000  }
0x1d: {  	[spmem:s1] =	stream.indirect.scatter.add.f32 [tilespmem:s13], [sflag:$0x2], $0x80, s12, s12, $0xb8;
	[tilespmem:$0x17D00] =	vst v63  }
0x1e: {  	_ =	swait.ge [sflag:s11], $0x4000  }
0x1f: {  	s17 =	simm.s32 $0x40;
	s16 =	simm.s32 $0x20;
	[sflag:s11] =	ssyncset.done $0x0  }
.LBB2_2:
0x20: {  	s18 =	sadd.s32 s16, s9  }
0x21: {  	[sflag:s11] =	ssyncadd.s32 $0xFFFFC000;
	s16 =	smov.u32 s17;
	s19 =	sadd.s32 $0x20, s17  }
0x22: {  	[tilespmem:s3], [sflag:$0x2] =	stream.linear.gather [hbm4b:s18+s3], $0x100, $0x38;
	[tilespmem:$0x17D00] =	vst v63  }
0x23: {  	p0 =	sne.s32 s17, $0x9C0;
	_ =	swait.ge [sflag:s11], $0x100  }
0x24: {  	[sflag:s11] =	ssyncset.done $0x0  }
0x25: {  	[sflag:s11] =	ssyncadd.s32 $0xFFFFFF00  }
0x26: {  	[tilespmem:s13], [sflag:$0x1] =	stream.indirect.gather [hbm4b:s4+s12], $0x80, s3, s12, $0xb8;
	[tilespmem:$0x17D00] =	vst v63  }
0x27: {  	_ =	swait.ge [sflag:s14], $0x4000  }
.Ltmp0:
0x28: {  	[sflag:s14] =	ssyncset.done $0x0;
	(pc) =	sbr.rel @p0 .LBB2_2-.Ltmp0, $4  }
0x29: {  	[sflag:s14] =	ssyncadd.s32 $0xFFFFC000  }
0x2a: {  	[spmem:s1] =	stream.indirect.scatter.add.f32 [tilespmem:s13], [sflag:$0x2], $0x80, s12, s12, $0xb8;
	[tilespmem:$0x17D00] =	vst v63  }
0x2b: {  	_ =	swait.ge [sflag:s11], $0x4000  }
0x2c: {  	s17 =	smov.u32 s19;
	[sflag:s11] =	ssyncset.done $0x0  }
0x2d: {  	s16 =	sadd.s32 s16, s9;
	[sflag:s11] =	ssyncadd.s32 $0xFFFFC000  }
0x2e: {  	[tilespmem:s3], [sflag:$0x2] =	stream.linear.gather [hbm4b:s16+s3], $0x100, $0x38;
	[tilespmem:$0x17D00] =	vst v63  }
0x2f: {  	_ =	swait.ge [sflag:s11], $0x100  }
0x30: {  	[sflag:s11] =	ssyncset.done $0x0  }
0x31: {  	[sflag:s11] =	ssyncadd.s32 $0xFFFFFF00  }
0x32: {  	[tilespmem:s13], [sflag:$0x1] =	stream.indirect.gather [hbm4b:s4+s12], $0x80, s3, s12, $0xb8;
	[tilespmem:$0x17D00] =	vst v63  }
0x33: {  	_ =	swait.ge [sflag:s14], $0x4000  }
0x34: {  	[sflag:s14] =	ssyncset.done $0x0  }
0x35: {  	[sflag:s14] =	ssyncadd.s32 $0xFFFFC000  }
0x36: {  	[spmem:s1] =	stream.indirect.scatter.add.f32 [tilespmem:s13], [sflag:$0x2], $0x80, s12, s12, $0xb8;
	[tilespmem:$0x17D00] =	vst v63  }
0x37: {  	_ =	swait.ge [sflag:s11], $0x4000  }
0x38: {  	s15 =	sadd.s32 $0x1, s15;
	[sflag:s11] =	ssyncset.done $0x0  }
0x39: {  	p0 =	sne.s32 s15, s8;
	[sflag:s11] =	ssyncadd.s32 $0xFFFFC000  }
.Ltmp1:
0x3a: {  	[bflag:$0x0] =	sbarrier.arrive $0xFFFF;
	(pc) =	sbr.rel @p0 .LBB2_1-.Ltmp1, $4  }
0x3b: {  	[hbm:s7], [sflag:s6] =	dma.local [spmem:s10], $0x2780  }
0x3c: {  	_ =	swait.ge [sflag:s11], $0x2780  }
0x3d: {  	[sflag:s11] =	ssyncset.done $0x0  }
0x3e: {  	[sflag:s11] =	ssyncadd.s32 $0xFFFFD880  }
0x3f: {  	_ =	sfence.sel $0x180000  }
0x40: {  	[bflag:$0x0] =	sbarrier.arrive $0xFFFF  }
0x41: {  	p0 =	sne.s32 s2, $0x0;
	_ =	strace $0x90000050  }
0x42: {  	s0 =	sadd.s32 @!p0 $0x100000, s0;
	[bflag:$0x2] =	sbarrier.arrive $0xFFFF  }
0x43: {  	[sflag:s0] =	ssyncadd.tile.s32 @!p0 $0x1;
	_ =	shalt  }
.Lfunc_end2:
_tile_overlayer_lowered:
.L_overlay_start_2:
0x44: {  	(tag) =	ssettag $0x2  }
0x45: {  	s0 =	rddreg [dreg:$0x0];
	s2 =	stileid.u32  }
0x46: {  	s1 =	rddreg [dreg:$0x1];
	p0 =	sne.s32 s2, $0x0  }
0x47: {  	s3 =	rddreg [dreg:$0x2];
	[bflag:$0x3] =	sbarrier.arrive $0xFFFF;
	s2 =	simm.s32 @!p0 $0x1C02  }
0x48: {  	[timem:s3], [sflag:s2] =	dma.local @!p0 [hbm:s0], s1  }
0x49: {  	s0 =	simm.s32 @!p0 $0x2  }
0x4a: {  	_ =	swait.ge @!p0 [sflag:s0], s1  }
0x4b: {  	s1 =	ssub.s32 @!p0 $0x0, s1;
	[sflag:s0] =	ssyncset.done @!p0 $0x0  }
0x4c: {  	[sflag:s0] =	ssyncadd.s32 @!p0 s1  }
0x4d: {  	[bflag:$0x3] =	sbarrier.arrive $0xFFFF  }
0x4e: {  	_ =	shalt  }

</sc_bundles>
